<compile_context>
chip_gen: v7x
topology: tpu7x:2x2x1
jax: 0.10.2.dev20260603
libtpu: 0.0.44.dev20260713+nightly
codegen_flags: <defaults>
</compile_context>

<pallas_src>
import functools

import jax
import jax.numpy as jnp
from jax import lax
from jax.experimental import pallas as pl
from jax.experimental.pallas import tpu as pltpu
from jax.experimental.pallas import tpu_sc as plsc

VOCAB = 100000
EMBED = 128
BATCH = 4096
HIST = 50

_NC = 2
_NS = 16
_NW = _NC * _NS

_B_PER_W = BATCH // _NW
_NBUF = 7
_GAP = 5
_OUT_LAG = _NBUF - _GAP

_mesh = plsc.VectorSubcoreMesh(core_axis_name="c", subcore_axis_name="s")


@functools.partial(
    pl.kernel,
    out_type=jax.ShapeDtypeStruct((HIST, BATCH, EMBED), jnp.float32),
    mesh=_mesh,
    scratch_types=[
        pltpu.VMEM((HIST, _B_PER_W), jnp.int32),
        pltpu.VMEM((_NBUF, _B_PER_W, EMBED), jnp.float32),
        pltpu.SemaphoreType.DMA,
        pltpu.SemaphoreType.DMA,
        pltpu.SemaphoreType.DMA,
        pltpu.SemaphoreType.DMA,
        pltpu.SemaphoreType.DMA,
        pltpu.SemaphoreType.DMA,
        pltpu.SemaphoreType.DMA,
        pltpu.SemaphoreType.DMA,
        pltpu.SemaphoreType.DMA,
        pltpu.SemaphoreType.DMA,
        pltpu.SemaphoreType.DMA,
        pltpu.SemaphoreType.DMA,
        pltpu.SemaphoreType.DMA,
        pltpu.SemaphoreType.DMA,
    ],
)
def _gather_kernel(table_hbm, idx_hbm, out_hbm, idx_v, buf,
                   g0, g1, g2, g3, g4, g5, g6, o0, o1, o2, o3, o4, o5, o6):
    gsem = (g0, g1, g2, g3, g4, g5, g6)
    osem = (o0, o1, o2, o3, o4, o5, o6)
    wid = lax.axis_index("s") * _NC + lax.axis_index("c")
    base = pl.multiple_of(wid * _B_PER_W, _B_PER_W)
    pltpu.sync_copy(idx_hbm.at[:, pl.ds(base, _B_PER_W)], idx_v)

    def fire_gather(b, h):
        pltpu.async_copy(table_hbm.at[idx_v.at[h]], buf.at[b], gsem[b])

    def drain_gather(b, h):
        pltpu.make_async_copy(table_hbm.at[idx_v.at[h]], buf.at[b],
                              gsem[b]).wait()

    def fire_out(b, h):
        pltpu.async_copy(buf.at[b], out_hbm.at[h, pl.ds(base, _B_PER_W)],
                         osem[b])

    def drain_out(b, h):
        pltpu.make_async_copy(buf.at[b], out_hbm.at[h, pl.ds(base, _B_PER_W)],
                              osem[b]).wait()

    for c in range(_GAP):
        fire_gather(c, c)

    for v in range(_OUT_LAG):
        drain_gather(v % _NBUF, v)
        fire_out(v % _NBUF, v)
        fire_gather((v + _GAP) % _NBUF, v + _GAP)

    def group(i, carry):
        v0 = _OUT_LAG + i * _NBUF
        for k in range(_NBUF):
            v = v0 + k
            s1 = (_OUT_LAG + k) % _NBUF
            s2 = k
            drain_gather(s1, v)
            fire_out(s1, v)
            drain_out(s2, v - _OUT_LAG)
            fire_gather(s2, v + _GAP)
        return carry

    n_groups = (HIST - _GAP - _OUT_LAG) // _NBUF
    lax.fori_loop(0, n_groups, group, 0, unroll=False)

    for v in range(_OUT_LAG + n_groups * _NBUF, HIST):
        s1 = v % _NBUF
        s2 = (v + _GAP) % _NBUF
        drain_gather(s1, v)
        fire_out(s1, v)
        drain_out(s2, v - _OUT_LAG)
        if v + _GAP < HIST:
            fire_gather(s2, v + _GAP)
    for c in range(HIST - _OUT_LAG, HIST):
        drain_out(c % _NBUF, c)


def kernel(input, weight):
    idx = jnp.transpose(input.astype(jnp.int32))
    out = _gather_kernel(weight, idx)
    return jnp.transpose(out, (1, 0, 2))

# --- scband reference (transcript-rebuilt; emitter-appended) ---
"""Pipeline reference for scband-embedding-6605659701461 (READ-ONLY COPY).

The authoritative reference and input builder live on the scoring server;
editing this copy changes nothing except your own understanding.
"""

import jax, jax.numpy as jnp
import numpy as np

VOCAB = 100000
EMBED = 128
BATCH = 4096
HIST = 50

def setup_inputs(seed: int = 0) -> dict:
    key = jax.random.key(seed)
    k_idx, k_w = jax.random.split(key)
    input_idx = jax.random.randint(k_idx, (BATCH, HIST), 0, VOCAB, dtype=jnp.int64 if jax.config.jax_enable_x64 else jnp.int32)
    weight = jax.random.normal(k_w, (VOCAB, EMBED), dtype=jnp.float32)
    return {"input": input_idx, "weight": weight}

def reference(input, weight):
    # Faithful translation of: return self.weight[input]
    return jnp.take(weight, input, axis=0)

if __name__ == "__main__":
    import jax
    _d = setup_inputs()
    print(jax.jit(kernel)(*tuple(_d.values())))

</pallas_src>

<mosaic_0001>
#map = affine_map<(d0, d1) -> (0, 0)>
#map1 = affine_map<(d0, d1) -> (0, 0, 0)>
module attributes {stable_mosaic.version = 14 : i64} {
  func.func @_gather_kernel(%arg0: i32, %arg1: i32, %arg2: memref<100000x128xf32, #tpu.memory_space<hbm>>, %arg3: memref<50x4096xi32, #tpu.memory_space<hbm>>, %arg4: memref<50x4096x128xf32, #tpu.memory_space<hbm>>, %arg5: memref<50x128xi32, #tpu.memory_space<vmem>>, %arg6: memref<7x128x128xf32, #tpu.memory_space<vmem>>, %arg7: memref<!tpu.dma_semaphore, #tpu.memory_space<semaphore_mem>>, %arg8: memref<!tpu.dma_semaphore, #tpu.memory_space<semaphore_mem>>, %arg9: memref<!tpu.dma_semaphore, #tpu.memory_space<semaphore_mem>>, %arg10: memref<!tpu.dma_semaphore, #tpu.memory_space<semaphore_mem>>, %arg11: memref<!tpu.dma_semaphore, #tpu.memory_space<semaphore_mem>>, %arg12: memref<!tpu.dma_semaphore, #tpu.memory_space<semaphore_mem>>, %arg13: memref<!tpu.dma_semaphore, #tpu.memory_space<semaphore_mem>>, %arg14: memref<!tpu.dma_semaphore, #tpu.memory_space<semaphore_mem>>, %arg15: memref<!tpu.dma_semaphore, #tpu.memory_space<semaphore_mem>>, %arg16: memref<!tpu.dma_semaphore, #tpu.memory_space<semaphore_mem>>, %arg17: memref<!tpu.dma_semaphore, #tpu.memory_space<semaphore_mem>>, %arg18: memref<!tpu.dma_semaphore, #tpu.memory_space<semaphore_mem>>, %arg19: memref<!tpu.dma_semaphore, #tpu.memory_space<semaphore_mem>>, %arg20: memref<!tpu.dma_semaphore, #tpu.memory_space<semaphore_mem>>) attributes {dimension_semantics = [#tpu.dimension_semantics<core_parallel>, #tpu.dimension_semantics<subcore_parallel>], iteration_bounds = array<i64: 2, 16>, scalar_prefetch = 0 : i64, scratch_operands = 16 : i64, tpu.core_type = #tpu.core_type<sc_vector_subcore>, window_params = [{transform_indices = #map}, {transform_indices = #map}, {transform_indices = #map1}]} {
    %mul3A = arith.constant 2 : i32
    %mul3A_0 = arith.muli %arg1, %mul3A : i32
    %add3A = arith.addi %mul3A_0, %arg0 : i32
    %mul3A_1 = arith.constant 128 : i32
    %mul3A_2 = arith.muli %add3A, %mul3A_1 : i32
    %multiple_of3A = tpu.assume_multiple %mul3A_2, 128 : i32
    "tpu.region"() ({
      %run_scoped3A = tpu.sem_alloc : memref<!tpu.dma_semaphore, #tpu.memory_space<semaphore_mem>>
      %dma_start3A_454 = arith.constant 0 : i32
      %dma_start3A_455 = tpu.memref_slice %arg3[%dma_start3A_454, %multiple_of3A] : memref<50x4096xi32, #tpu.memory_space<hbm>> -> memref<50x128xi32, #tpu.memory_space<hbm>>
      %dma_start3A_456 = arith.constant 0 : i32
      %dma_start3A_457 = tpu.memref_slice %arg3[%dma_start3A_456, %multiple_of3A] : memref<50x4096xi32, #tpu.memory_space<hbm>> -> memref<50x128xi32, #tpu.memory_space<hbm>>
      tpu.enqueue_dma source(%dma_start3A_457 : memref<50x128xi32, #tpu.memory_space<hbm>>) target(%arg5 : memref<50x128xi32, #tpu.memory_space<vmem>>) target_semaphore(%run_scoped3A : memref<!tpu.dma_semaphore, #tpu.memory_space<semaphore_mem>>)
      %dma_wait3A_458 = arith.constant 0 : i32
      %dma_wait3A_459 = tpu.memref_slice %arg3[%dma_wait3A_458, %multiple_of3A] : memref<50x4096xi32, #tpu.memory_space<hbm>> -> memref<50x128xi32, #tpu.memory_space<hbm>>
      %dma_wait3A_460 = arith.constant 0 : i32
      %dma_wait3A_461 = tpu.memref_slice %arg3[%dma_wait3A_460, %multiple_of3A] : memref<50x4096xi32, #tpu.memory_space<hbm>> -> memref<50x128xi32, #tpu.memory_space<hbm>>
      tpu.wait_dma2 semaphore(%run_scoped3A : memref<!tpu.dma_semaphore, #tpu.memory_space<semaphore_mem>>) src(%dma_wait3A_461 : memref<50x128xi32, #tpu.memory_space<hbm>>) dst(%arg5 : memref<50x128xi32, #tpu.memory_space<vmem>>)
      tpu.yield
    }) : () -> ()
    %dma_start3A = arith.constant 0 : i32
    %dma_start3A_3 = arith.constant 0 : i32
    %dma_start3A_4 = arith.constant 0 : i32
    %dma_start3A_5 = arith.constant 0 : i32
    %dma_start3A_6 = tpu.memref_slice %arg6[%dma_start3A_3, %dma_start3A_4, %dma_start3A_5] : memref<7x128x128xf32, #tpu.memory_space<vmem>> -> memref<1x128x128xf32, #tpu.memory_space<vmem>>
    %dma_start3A_7 = tpu.memref_squeeze %dma_start3A_6 : memref<1x128x128xf32, #tpu.memory_space<vmem>> -> memref<128x128xf32, #tpu.memory_space<vmem>>
    %dma_start3A_8 = arith.constant 0 : i32
    %dma_start3A_9 = tpu.memref_slice %arg5[%dma_start3A, %dma_start3A_8] : memref<50x128xi32, #tpu.memory_space<vmem>> -> memref<1x128xi32, #tpu.memory_space<vmem>>
    %dma_start3A_10 = tpu.memref_squeeze %dma_start3A_9 : memref<1x128xi32, #tpu.memory_space<vmem>> -> memref<128xi32, #tpu.memory_space<vmem>>
    %dma_start3A_11 = arith.constant 0 : i32
    %dma_start3A_12 = arith.constant 0 : i32
    %dma_start3A_13 = tpu.memref_slice %arg2[%dma_start3A_11, %dma_start3A_12] : memref<100000x128xf32, #tpu.memory_space<hbm>> -> memref<100000x128xf32, #tpu.memory_space<hbm>>
    tpu.enqueue_indirect_dma source(%dma_start3A_13 : memref<100000x128xf32, #tpu.memory_space<hbm>>) target(%dma_start3A_7 : memref<128x128xf32, #tpu.memory_space<vmem>>) offsets(%dma_start3A_10 : memref<128xi32, #tpu.memory_space<vmem>>) semaphore(%arg7 : memref<!tpu.dma_semaphore, #tpu.memory_space<semaphore_mem>>)
    %dma_start3A_14 = arith.constant 1 : i32
    %dma_start3A_15 = arith.constant 1 : i32
    %dma_start3A_16 = arith.constant 0 : i32
    %dma_start3A_17 = arith.constant 0 : i32
    %dma_start3A_18 = tpu.memref_slice %arg6[%dma_start3A_15, %dma_start3A_16, %dma_start3A_17] : memref<7x128x128xf32, #tpu.memory_space<vmem>> -> memref<1x128x128xf32, #tpu.memory_space<vmem>>
    %dma_start3A_19 = tpu.memref_squeeze %dma_start3A_18 : memref<1x128x128xf32, #tpu.memory_space<vmem>> -> memref<128x128xf32, #tpu.memory_space<vmem>>
    %dma_start3A_20 = arith.constant 0 : i32
    %dma_start3A_21 = tpu.memref_slice %arg5[%dma_start3A_14, %dma_start3A_20] : memref<50x128xi32, #tpu.memory_space<vmem>> -> memref<1x128xi32, #tpu.memory_space<vmem>>
    %dma_start3A_22 = tpu.memref_squeeze %dma_start3A_21 : memref<1x128xi32, #tpu.memory_space<vmem>> -> memref<128xi32, #tpu.memory_space<vmem>>
    %dma_start3A_23 = arith.constant 0 : i32
    %dma_start3A_24 = arith.constant 0 : i32
    %dma_start3A_25 = tpu.memref_slice %arg2[%dma_start3A_23, %dma_start3A_24] : memref<100000x128xf32, #tpu.memory_space<hbm>> -> memref<100000x128xf32, #tpu.memory_space<hbm>>
    tpu.enqueue_indirect_dma source(%dma_start3A_25 : memref<100000x128xf32, #tpu.memory_space<hbm>>) target(%dma_start3A_19 : memref<128x128xf32, #tpu.memory_space<vmem>>) offsets(%dma_start3A_22 : memref<128xi32, #tpu.memory_space<vmem>>) semaphore(%arg8 : memref<!tpu.dma_semaphore, #tpu.memory_space<semaphore_mem>>)
    %dma_start3A_26 = arith.constant 2 : i32
    %dma_start3A_27 = arith.constant 2 : i32
    %dma_start3A_28 = arith.constant 0 : i32
    %dma_start3A_29 = arith.constant 0 : i32
    %dma_start3A_30 = tpu.memref_slice %arg6[%dma_start3A_27, %dma_start3A_28, %dma_start3A_29] : memref<7x128x128xf32, #tpu.memory_space<vmem>> -> memref<1x128x128xf32, #tpu.memory_space<vmem>>
    %dma_start3A_31 = tpu.memref_squeeze %dma_start3A_30 : memref<1x128x128xf32, #tpu.memory_space<vmem>> -> memref<128x128xf32, #tpu.memory_space<vmem>>
    %dma_start3A_32 = arith.constant 0 : i32
    %dma_start3A_33 = tpu.memref_slice %arg5[%dma_start3A_26, %dma_start3A_32] : memref<50x128xi32, #tpu.memory_space<vmem>> -> memref<1x128xi32, #tpu.memory_space<vmem>>
    %dma_start3A_34 = tpu.memref_squeeze %dma_start3A_33 : memref<1x128xi32, #tpu.memory_space<vmem>> -> memref<128xi32, #tpu.memory_space<vmem>>
    %dma_start3A_35 = arith.constant 0 : i32
    %dma_start3A_36 = arith.constant 0 : i32
    %dma_start3A_37 = tpu.memref_slice %arg2[%dma_start3A_35, %dma_start3A_36] : memref<100000x128xf32, #tpu.memory_space<hbm>> -> memref<100000x128xf32, #tpu.memory_space<hbm>>
    tpu.enqueue_indirect_dma source(%dma_start3A_37 : memref<100000x128xf32, #tpu.memory_space<hbm>>) target(%dma_start3A_31 : memref<128x128xf32, #tpu.memory_space<vmem>>) offsets(%dma_start3A_34 : memref<128xi32, #tpu.memory_space<vmem>>) semaphore(%arg9 : memref<!tpu.dma_semaphore, #tpu.memory_space<semaphore_mem>>)
    %dma_start3A_38 = arith.constant 3 : i32
    %dma_start3A_39 = arith.constant 3 : i32
    %dma_start3A_40 = arith.constant 0 : i32
    %dma_start3A_41 = arith.constant 0 : i32
    %dma_start3A_42 = tpu.memref_slice %arg6[%dma_start3A_39, %dma_start3A_40, %dma_start3A_41] : memref<7x128x128xf32, #tpu.memory_space<vmem>> -> memref<1x128x128xf32, #tpu.memory_space<vmem>>
    %dma_start3A_43 = tpu.memref_squeeze %dma_start3A_42 : memref<1x128x128xf32, #tpu.memory_space<vmem>> -> memref<128x128xf32, #tpu.memory_space<vmem>>
    %dma_start3A_44 = arith.constant 0 : i32
    %dma_start3A_45 = tpu.memref_slice %arg5[%dma_start3A_38, %dma_start3A_44] : memref<50x128xi32, #tpu.memory_space<vmem>> -> memref<1x128xi32, #tpu.memory_space<vmem>>
    %dma_start3A_46 = tpu.memref_squeeze %dma_start3A_45 : memref<1x128xi32, #tpu.memory_space<vmem>> -> memref<128xi32, #tpu.memory_space<vmem>>
    %dma_start3A_47 = arith.constant 0 : i32
    %dma_start3A_48 = arith.constant 0 : i32
    %dma_start3A_49 = tpu.memref_slice %arg2[%dma_start3A_47, %dma_start3A_48] : memref<100000x128xf32, #tpu.memory_space<hbm>> -> memref<100000x128xf32, #tpu.memory_space<hbm>>
    tpu.enqueue_indirect_dma source(%dma_start3A_49 : memref<100000x128xf32, #tpu.memory_space<hbm>>) target(%dma_start3A_43 : memref<128x128xf32, #tpu.memory_space<vmem>>) offsets(%dma_start3A_46 : memref<128xi32, #tpu.memory_space<vmem>>) semaphore(%arg10 : memref<!tpu.dma_semaphore, #tpu.memory_space<semaphore_mem>>)
    %dma_start3A_50 = arith.constant 4 : i32
    %dma_start3A_51 = arith.constant 4 : i32
    %dma_start3A_52 = arith.constant 0 : i32
    %dma_start3A_53 = arith.constant 0 : i32
    %dma_start3A_54 = tpu.memref_slice %arg6[%dma_start3A_51, %dma_start3A_52, %dma_start3A_53] : memref<7x128x128xf32, #tpu.memory_space<vmem>> -> memref<1x128x128xf32, #tpu.memory_space<vmem>>
    %dma_start3A_55 = tpu.memref_squeeze %dma_start3A_54 : memref<1x128x128xf32, #tpu.memory_space<vmem>> -> memref<128x128xf32, #tpu.memory_space<vmem>>
    %dma_start3A_56 = arith.constant 0 : i32
    %dma_start3A_57 = tpu.memref_slice %arg5[%dma_start3A_50, %dma_start3A_56] : memref<50x128xi32, #tpu.memory_space<vmem>> -> memref<1x128xi32, #tpu.memory_space<vmem>>
    %dma_start3A_58 = tpu.memref_squeeze %dma_start3A_57 : memref<1x128xi32, #tpu.memory_space<vmem>> -> memref<128xi32, #tpu.memory_space<vmem>>
    %dma_start3A_59 = arith.constant 0 : i32
    %dma_start3A_60 = arith.constant 0 : i32
    %dma_start3A_61 = tpu.memref_slice %arg2[%dma_start3A_59, %dma_start3A_60] : memref<100000x128xf32, #tpu.memory_space<hbm>> -> memref<100000x128xf32, #tpu.memory_space<hbm>>
    tpu.enqueue_indirect_dma source(%dma_start3A_61 : memref<100000x128xf32, #tpu.memory_space<hbm>>) target(%dma_start3A_55 : memref<128x128xf32, #tpu.memory_space<vmem>>) offsets(%dma_start3A_58 : memref<128xi32, #tpu.memory_space<vmem>>) semaphore(%arg11 : memref<!tpu.dma_semaphore, #tpu.memory_space<semaphore_mem>>)
    %dma_wait3A = arith.constant 0 : i32
    %dma_wait3A_62 = arith.constant 0 : i32
    %dma_wait3A_63 = arith.constant 0 : i32
    %dma_wait3A_64 = arith.constant 0 : i32
    %dma_wait3A_65 = tpu.memref_slice %arg6[%dma_wait3A_62, %dma_wait3A_63, %dma_wait3A_64] : memref<7x128x128xf32, #tpu.memory_space<vmem>> -> memref<1x128x128xf32, #tpu.memory_space<vmem>>
    %dma_wait3A_66 = tpu.memref_squeeze %dma_wait3A_65 : memref<1x128x128xf32, #tpu.memory_space<vmem>> -> memref<128x128xf32, #tpu.memory_space<vmem>>
    %dma_wait3A_67 = arith.constant 0 : i32
    %dma_wait3A_68 = tpu.memref_slice %arg5[%dma_wait3A, %dma_wait3A_67] : memref<50x128xi32, #tpu.memory_space<vmem>> -> memref<1x128xi32, #tpu.memory_space<vmem>>
    %dma_wait3A_69 = tpu.memref_squeeze %dma_wait3A_68 : memref<1x128xi32, #tpu.memory_space<vmem>> -> memref<128xi32, #tpu.memory_space<vmem>>
    %dma_wait3A_70 = arith.constant 0 : i32
    %dma_wait3A_71 = arith.constant 0 : i32
    %dma_wait3A_72 = tpu.memref_slice %arg2[%dma_wait3A_70, %dma_wait3A_71] : memref<100000x128xf32, #tpu.memory_space<hbm>> -> memref<100000x128xf32, #tpu.memory_space<hbm>>
    tpu.wait_indirect_dma semaphore(%arg7 : memref<!tpu.dma_semaphore, #tpu.memory_space<semaphore_mem>>) src(%dma_wait3A_72 : memref<100000x128xf32, #tpu.memory_space<hbm>>) dst(%dma_wait3A_66 : memref<128x128xf32, #tpu.memory_space<vmem>>)
    %dma_start3A_73 = arith.constant 0 : i32
    %dma_start3A_74 = arith.constant 0 : i32
    %dma_start3A_75 = arith.constant 0 : i32
    %dma_start3A_76 = arith.constant 0 : i32
    %dma_start3A_77 = tpu.memref_slice %arg6[%dma_start3A_73, %dma_start3A_75, %dma_start3A_76] : memref<7x128x128xf32, #tpu.memory_space<vmem>> -> memref<1x128x128xf32, #tpu.memory_space<vmem>>
    %dma_start3A_78 = tpu.memref_squeeze %dma_start3A_77 : memref<1x128x128xf32, #tpu.memory_space<vmem>> -> memref<128x128xf32, #tpu.memory_space<vmem>>
    %dma_start3A_79 = arith.constant 0 : i32
    %dma_start3A_80 = tpu.memref_slice %arg4[%dma_start3A_74, %multiple_of3A, %dma_start3A_79] : memref<50x4096x128xf32, #tpu.memory_space<hbm>> -> memref<1x128x128xf32, #tpu.memory_space<hbm>>
    %dma_start3A_81 = tpu.memref_squeeze %dma_start3A_80 : memref<1x128x128xf32, #tpu.memory_space<hbm>> -> memref<128x128xf32, #tpu.memory_space<hbm>>
    %dma_start3A_82 = arith.constant 0 : i32
    %dma_start3A_83 = tpu.memref_slice %arg4[%dma_start3A_74, %multiple_of3A, %dma_start3A_82] : memref<50x4096x128xf32, #tpu.memory_space<hbm>> -> memref<1x128x128xf32, #tpu.memory_space<hbm>>
    %dma_start3A_84 = tpu.memref_squeeze %dma_start3A_83 : memref<1x128x128xf32, #tpu.memory_space<hbm>> -> memref<128x128xf32, #tpu.memory_space<hbm>>
    %dma_start3A_85 = arith.constant 0 : i32
    %dma_start3A_86 = arith.constant 0 : i32
    %dma_start3A_87 = tpu.memref_slice %arg6[%dma_start3A_73, %dma_start3A_85, %dma_start3A_86] : memref<7x128x128xf32, #tpu.memory_space<vmem>> -> memref<1x128x128xf32, #tpu.memory_space<vmem>>
    %dma_start3A_88 = tpu.memref_squeeze %dma_start3A_87 : memref<1x128x128xf32, #tpu.memory_space<vmem>> -> memref<128x128xf32, #tpu.memory_space<vmem>>
    tpu.enqueue_dma source(%dma_start3A_88 : memref<128x128xf32, #tpu.memory_space<vmem>>) target(%dma_start3A_84 : memref<128x128xf32, #tpu.memory_space<hbm>>) target_semaphore(%arg14 : memref<!tpu.dma_semaphore, #tpu.memory_space<semaphore_mem>>)
    %dma_start3A_89 = arith.constant 5 : i32
    %dma_start3A_90 = arith.constant 5 : i32
    %dma_start3A_91 = arith.constant 0 : i32
    %dma_start3A_92 = arith.constant 0 : i32
    %dma_start3A_93 = tpu.memref_slice %arg6[%dma_start3A_90, %dma_start3A_91, %dma_start3A_92] : memref<7x128x128xf32, #tpu.memory_space<vmem>> -> memref<1x128x128xf32, #tpu.memory_space<vmem>>
    %dma_start3A_94 = tpu.memref_squeeze %dma_start3A_93 : memref<1x128x128xf32, #tpu.memory_space<vmem>> -> memref<128x128xf32, #tpu.memory_space<vmem>>
    %dma_start3A_95 = arith.constant 0 : i32
    %dma_start3A_96 = tpu.memref_slice %arg5[%dma_start3A_89, %dma_start3A_95] : memref<50x128xi32, #tpu.memory_space<vmem>> -> memref<1x128xi32, #tpu.memory_space<vmem>>
    %dma_start3A_97 = tpu.memref_squeeze %dma_start3A_96 : memref<1x128xi32, #tpu.memory_space<vmem>> -> memref<128xi32, #tpu.memory_space<vmem>>
    %dma_start3A_98 = arith.constant 0 : i32
    %dma_start3A_99 = arith.constant 0 : i32
    %dma_start3A_100 = tpu.memref_slice %arg2[%dma_start3A_98, %dma_start3A_99] : memref<100000x128xf32, #tpu.memory_space<hbm>> -> memref<100000x128xf32, #tpu.memory_space<hbm>>
    tpu.enqueue_indirect_dma source(%dma_start3A_100 : memref<100000x128xf32, #tpu.memory_space<hbm>>) target(%dma_start3A_94 : memref<128x128xf32, #tpu.memory_space<vmem>>) offsets(%dma_start3A_97 : memref<128xi32, #tpu.memory_space<vmem>>) semaphore(%arg12 : memref<!tpu.dma_semaphore, #tpu.memory_space<semaphore_mem>>)
    %dma_wait3A_101 = arith.constant 1 : i32
    %dma_wait3A_102 = arith.constant 1 : i32
    %dma_wait3A_103 = arith.constant 0 : i32
    %dma_wait3A_104 = arith.constant 0 : i32
    %dma_wait3A_105 = tpu.memref_slice %arg6[%dma_wait3A_102, %dma_wait3A_103, %dma_wait3A_104] : memref<7x128x128xf32, #tpu.memory_space<vmem>> -> memref<1x128x128xf32, #tpu.memory_space<vmem>>
    %dma_wait3A_106 = tpu.memref_squeeze %dma_wait3A_105 : memref<1x128x128xf32, #tpu.memory_space<vmem>> -> memref<128x128xf32, #tpu.memory_space<vmem>>
    %dma_wait3A_107 = arith.constant 0 : i32
    %dma_wait3A_108 = tpu.memref_slice %arg5[%dma_wait3A_101, %dma_wait3A_107] : memref<50x128xi32, #tpu.memory_space<vmem>> -> memref<1x128xi32, #tpu.memory_space<vmem>>
    %dma_wait3A_109 = tpu.memref_squeeze %dma_wait3A_108 : memref<1x128xi32, #tpu.memory_space<vmem>> -> memref<128xi32, #tpu.memory_space<vmem>>
    %dma_wait3A_110 = arith.constant 0 : i32
    %dma_wait3A_111 = arith.constant 0 : i32
    %dma_wait3A_112 = tpu.memref_slice %arg2[%dma_wait3A_110, %dma_wait3A_111] : memref<100000x128xf32, #tpu.memory_space<hbm>> -> memref<100000x128xf32, #tpu.memory_space<hbm>>
    tpu.wait_indirect_dma semaphore(%arg8 : memref<!tpu.dma_semaphore, #tpu.memory_space<semaphore_mem>>) src(%dma_wait3A_112 : memref<100000x128xf32, #tpu.memory_space<hbm>>) dst(%dma_wait3A_106 : memref<128x128xf32, #tpu.memory_space<vmem>>)
    %dma_start3A_113 = arith.constant 1 : i32
    %dma_start3A_114 = arith.constant 1 : i32
    %dma_start3A_115 = arith.constant 0 : i32
    %dma_start3A_116 = arith.constant 0 : i32
    %dma_start3A_117 = tpu.memref_slice %arg6[%dma_start3A_113, %dma_start3A_115, %dma_start3A_116] : memref<7x128x128xf32, #tpu.memory_space<vmem>> -> memref<1x128x128xf32, #tpu.memory_space<vmem>>
    %dma_start3A_118 = tpu.memref_squeeze %dma_start3A_117 : memref<1x128x128xf32, #tpu.memory_space<vmem>> -> memref<128x128xf32, #tpu.memory_space<vmem>>
    %dma_start3A_119 = arith.constant 0 : i32
    %dma_start3A_120 = tpu.memref_slice %arg4[%dma_start3A_114, %multiple_of3A, %dma_start3A_119] : memref<50x4096x128xf32, #tpu.memory_space<hbm>> -> memref<1x128x128xf32, #tpu.memory_space<hbm>>
    %dma_start3A_121 = tpu.memref_squeeze %dma_start3A_120 : memref<1x128x128xf32, #tpu.memory_space<hbm>> -> memref<128x128xf32, #tpu.memory_space<hbm>>
    %dma_start3A_122 = arith.constant 0 : i32
    %dma_start3A_123 = tpu.memref_slice %arg4[%dma_start3A_114, %multiple_of3A, %dma_start3A_122] : memref<50x4096x128xf32, #tpu.memory_space<hbm>> -> memref<1x128x128xf32, #tpu.memory_space<hbm>>
    %dma_start3A_124 = tpu.memref_squeeze %dma_start3A_123 : memref<1x128x128xf32, #tpu.memory_space<hbm>> -> memref<128x128xf32, #tpu.memory_space<hbm>>
    %dma_start3A_125 = arith.constant 0 : i32
    %dma_start3A_126 = arith.constant 0 : i32
    %dma_start3A_127 = tpu.memref_slice %arg6[%dma_start3A_113, %dma_start3A_125, %dma_start3A_126] : memref<7x128x128xf32, #tpu.memory_space<vmem>> -> memref<1x128x128xf32, #tpu.memory_space<vmem>>
    %dma_start3A_128 = tpu.memref_squeeze %dma_start3A_127 : memref<1x128x128xf32, #tpu.memory_space<vmem>> -> memref<128x128xf32, #tpu.memory_space<vmem>>
    tpu.enqueue_dma source(%dma_start3A_128 : memref<128x128xf32, #tpu.memory_space<vmem>>) target(%dma_start3A_124 : memref<128x128xf32, #tpu.memory_space<hbm>>) target_semaphore(%arg15 : memref<!tpu.dma_semaphore, #tpu.memory_space<semaphore_mem>>)
    %dma_start3A_129 = arith.constant 6 : i32
    %dma_start3A_130 = arith.constant 6 : i32
    %dma_start3A_131 = arith.constant 0 : i32
    %dma_start3A_132 = arith.constant 0 : i32
    %dma_start3A_133 = tpu.memref_slice %arg6[%dma_start3A_130, %dma_start3A_131, %dma_start3A_132] : memref<7x128x128xf32, #tpu.memory_space<vmem>> -> memref<1x128x128xf32, #tpu.memory_space<vmem>>
    %dma_start3A_134 = tpu.memref_squeeze %dma_start3A_133 : memref<1x128x128xf32, #tpu.memory_space<vmem>> -> memref<128x128xf32, #tpu.memory_space<vmem>>
    %dma_start3A_135 = arith.constant 0 : i32
    %dma_start3A_136 = tpu.memref_slice %arg5[%dma_start3A_129, %dma_start3A_135] : memref<50x128xi32, #tpu.memory_space<vmem>> -> memref<1x128xi32, #tpu.memory_space<vmem>>
    %dma_start3A_137 = tpu.memref_squeeze %dma_start3A_136 : memref<1x128xi32, #tpu.memory_space<vmem>> -> memref<128xi32, #tpu.memory_space<vmem>>
    %dma_start3A_138 = arith.constant 0 : i32
    %dma_start3A_139 = arith.constant 0 : i32
    %dma_start3A_140 = tpu.memref_slice %arg2[%dma_start3A_138, %dma_start3A_139] : memref<100000x128xf32, #tpu.memory_space<hbm>> -> memref<100000x128xf32, #tpu.memory_space<hbm>>
    tpu.enqueue_indirect_dma source(%dma_start3A_140 : memref<100000x128xf32, #tpu.memory_space<hbm>>) target(%dma_start3A_134 : memref<128x128xf32, #tpu.memory_space<vmem>>) offsets(%dma_start3A_137 : memref<128xi32, #tpu.memory_space<vmem>>) semaphore(%arg13 : memref<!tpu.dma_semaphore, #tpu.memory_space<semaphore_mem>>)
    %scan3A = arith.constant 0 : i32
    %scan3A_141 = arith.constant 0 : i32
    %scan3A_142 = arith.constant 6 : i32
    %scan3A_143 = arith.addi %scan3A_141, %scan3A_142 : i32
    %scan3A_144 = arith.constant 1 : i32
    scf.for %scan3A_454 = %scan3A_141 to %scan3A_143 step %scan3A_144  : i32 {
      %mul3A_455 = arith.constant 7 : i32
      %mul3A_456 = arith.muli %scan3A_454, %mul3A_455 : i32
      %add3A_457 = arith.constant 2 : i32
      %add3A_458 = arith.addi %add3A_457, %mul3A_456 : i32
      %add3A_459 = arith.constant 0 : i32
      %add3A_460 = arith.addi %add3A_458, %add3A_459 : i32
      %dma_wait3A_461 = arith.constant 2 : i32
      %dma_wait3A_462 = arith.constant 0 : i32
      %dma_wait3A_463 = arith.constant 0 : i32
      %dma_wait3A_464 = tpu.memref_slice %arg6[%dma_wait3A_461, %dma_wait3A_462, %dma_wait3A_463] : memref<7x128x128xf32, #tpu.memory_space<vmem>> -> memref<1x128x128xf32, #tpu.memory_space<vmem>>
      %dma_wait3A_465 = tpu.memref_squeeze %dma_wait3A_464 : memref<1x128x128xf32, #tpu.memory_space<vmem>> -> memref<128x128xf32, #tpu.memory_space<vmem>>
      %dma_wait3A_466 = arith.constant 0 : i32
      %dma_wait3A_467 = tpu.memref_slice %arg5[%add3A_460, %dma_wait3A_466] : memref<50x128xi32, #tpu.memory_space<vmem>> -> memref<1x128xi32, #tpu.memory_space<vmem>>
      %dma_wait3A_468 = tpu.memref_squeeze %dma_wait3A_467 : memref<1x128xi32, #tpu.memory_space<vmem>> -> memref<128xi32, #tpu.memory_space<vmem>>
      %dma_wait3A_469 = arith.constant 0 : i32
      %dma_wait3A_470 = arith.constant 0 : i32
      %dma_wait3A_471 = tpu.memref_slice %arg2[%dma_wait3A_469, %dma_wait3A_470] : memref<100000x128xf32, #tpu.memory_space<hbm>> -> memref<100000x128xf32, #tpu.memory_space<hbm>>
      tpu.wait_indirect_dma semaphore(%arg9 : memref<!tpu.dma_semaphore, #tpu.memory_space<semaphore_mem>>) src(%dma_wait3A_471 : memref<100000x128xf32, #tpu.memory_space<hbm>>) dst(%dma_wait3A_465 : memref<128x128xf32, #tpu.memory_space<vmem>>)
      %dma_start3A_472 = arith.constant 2 : i32
      %dma_start3A_473 = arith.constant 0 : i32
      %dma_start3A_474 = arith.constant 0 : i32
      %dma_start3A_475 = tpu.memref_slice %arg6[%dma_start3A_472, %dma_start3A_473, %dma_start3A_474] : memref<7x128x128xf32, #tpu.memory_space<vmem>> -> memref<1x128x128xf32, #tpu.memory_space<vmem>>
      %dma_start3A_476 = tpu.memref_squeeze %dma_start3A_475 : memref<1x128x128xf32, #tpu.memory_space<vmem>> -> memref<128x128xf32, #tpu.memory_space<vmem>>
      %dma_start3A_477 = arith.constant 0 : i32
      %dma_start3A_478 = tpu.memref_slice %arg4[%add3A_460, %multiple_of3A, %dma_start3A_477] : memref<50x4096x128xf32, #tpu.memory_space<hbm>> -> memref<1x128x128xf32, #tpu.memory_space<hbm>>
      %dma_start3A_479 = tpu.memref_squeeze %dma_start3A_478 : memref<1x128x128xf32, #tpu.memory_space<hbm>> -> memref<128x128xf32, #tpu.memory_space<hbm>>
      %dma_start3A_480 = arith.constant 0 : i32
      %dma_start3A_481 = tpu.memref_slice %arg4[%add3A_460, %multiple_of3A, %dma_start3A_480] : memref<50x4096x128xf32, #tpu.memory_space<hbm>> -> memref<1x128x128xf32, #tpu.memory_space<hbm>>
      %dma_start3A_482 = tpu.memref_squeeze %dma_start3A_481 : memref<1x128x128xf32, #tpu.memory_space<hbm>> -> memref<128x128xf32, #tpu.memory_space<hbm>>
      %dma_start3A_483 = arith.constant 0 : i32
      %dma_start3A_484 = arith.constant 0 : i32
      %dma_start3A_485 = tpu.memref_slice %arg6[%dma_start3A_472, %dma_start3A_483, %dma_start3A_484] : memref<7x128x128xf32, #tpu.memory_space<vmem>> -> memref<1x128x128xf32, #tpu.memory_space<vmem>>
      %dma_start3A_486 = tpu.memref_squeeze %dma_start3A_485 : memref<1x128x128xf32, #tpu.memory_space<vmem>> -> memref<128x128xf32, #tpu.memory_space<vmem>>
      tpu.enqueue_dma source(%dma_start3A_486 : memref<128x128xf32, #tpu.memory_space<vmem>>) target(%dma_start3A_482 : memref<128x128xf32, #tpu.memory_space<hbm>>) target_semaphore(%arg16 : memref<!tpu.dma_semaphore, #tpu.memory_space<semaphore_mem>>)
      %sub3A = arith.constant 2 : i32
      %sub3A_487 = arith.subi %add3A_460, %sub3A : i32
      %dma_wait3A_488 = arith.constant 0 : i32
      %dma_wait3A_489 = arith.constant 0 : i32
      %dma_wait3A_490 = arith.constant 0 : i32
      %dma_wait3A_491 = tpu.memref_slice %arg6[%dma_wait3A_488, %dma_wait3A_489, %dma_wait3A_490] : memref<7x128x128xf32, #tpu.memory_space<vmem>> -> memref<1x128x128xf32, #tpu.memory_space<vmem>>
      %dma_wait3A_492 = tpu.memref_squeeze %dma_wait3A_491 : memref<1x128x128xf32, #tpu.memory_space<vmem>> -> memref<128x128xf32, #tpu.memory_space<vmem>>
      %dma_wait3A_493 = arith.constant 0 : i32
      %dma_wait3A_494 = tpu.memref_slice %arg4[%sub3A_487, %multiple_of3A, %dma_wait3A_493] : memref<50x4096x128xf32, #tpu.memory_space<hbm>> -> memref<1x128x128xf32, #tpu.memory_space<hbm>>
      %dma_wait3A_495 = tpu.memref_squeeze %dma_wait3A_494 : memref<1x128x128xf32, #tpu.memory_space<hbm>> -> memref<128x128xf32, #tpu.memory_space<hbm>>
      %dma_wait3A_496 = arith.constant 0 : i32
      %dma_wait3A_497 = tpu.memref_slice %arg4[%sub3A_487, %multiple_of3A, %dma_wait3A_496] : memref<50x4096x128xf32, #tpu.memory_space<hbm>> -> memref<1x128x128xf32, #tpu.memory_space<hbm>>
      %dma_wait3A_498 = tpu.memref_squeeze %dma_wait3A_497 : memref<1x128x128xf32, #tpu.memory_space<hbm>> -> memref<128x128xf32, #tpu.memory_space<hbm>>
      %dma_wait3A_499 = arith.constant 0 : i32
      %dma_wait3A_500 = arith.constant 0 : i32
      %dma_wait3A_501 = tpu.memref_slice %arg6[%dma_wait3A_488, %dma_wait3A_499, %dma_wait3A_500] : memref<7x128x128xf32, #tpu.memory_space<vmem>> -> memref<1x128x128xf32, #tpu.memory_space<vmem>>
      %dma_wait3A_502 = tpu.memref_squeeze %dma_wait3A_501 : memref<1x128x128xf32, #tpu.memory_space<vmem>> -> memref<128x128xf32, #tpu.memory_space<vmem>>
      tpu.wait_dma2 semaphore(%arg14 : memref<!tpu.dma_semaphore, #tpu.memory_space<semaphore_mem>>) src(%dma_wait3A_502 : memref<128x128xf32, #tpu.memory_space<vmem>>) dst(%dma_wait3A_498 : memref<128x128xf32, #tpu.memory_space<hbm>>)
      %add3A_503 = arith.constant 5 : i32
      %add3A_504 = arith.addi %add3A_460, %add3A_503 : i32
      %dma_start3A_505 = arith.constant 0 : i32
      %dma_start3A_506 = arith.constant 0 : i32
      %dma_start3A_507 = arith.constant 0 : i32
      %dma_start3A_508 = tpu.memref_slice %arg6[%dma_start3A_505, %dma_start3A_506, %dma_start3A_507] : memref<7x128x128xf32, #tpu.memory_space<vmem>> -> memref<1x128x128xf32, #tpu.memory_space<vmem>>
      %dma_start3A_509 = tpu.memref_squeeze %dma_start3A_508 : memref<1x128x128xf32, #tpu.memory_space<vmem>> -> memref<128x128xf32, #tpu.memory_space<vmem>>
      %dma_start3A_510 = arith.constant 0 : i32
      %dma_start3A_511 = tpu.memref_slice %arg5[%add3A_504, %dma_start3A_510] : memref<50x128xi32, #tpu.memory_space<vmem>> -> memref<1x128xi32, #tpu.memory_space<vmem>>
      %dma_start3A_512 = tpu.memref_squeeze %dma_start3A_511 : memref<1x128xi32, #tpu.memory_space<vmem>> -> memref<128xi32, #tpu.memory_space<vmem>>
      %dma_start3A_513 = arith.constant 0 : i32
      %dma_start3A_514 = arith.constant 0 : i32
      %dma_start3A_515 = tpu.memref_slice %arg2[%dma_start3A_513, %dma_start3A_514] : memref<100000x128xf32, #tpu.memory_space<hbm>> -> memref<100000x128xf32, #tpu.memory_space<hbm>>
      tpu.enqueue_indirect_dma source(%dma_start3A_515 : memref<100000x128xf32, #tpu.memory_space<hbm>>) target(%dma_start3A_509 : memref<128x128xf32, #tpu.memory_space<vmem>>) offsets(%dma_start3A_512 : memref<128xi32, #tpu.memory_space<vmem>>) semaphore(%arg7 : memref<!tpu.dma_semaphore, #tpu.memory_space<semaphore_mem>>)
      %add3A_516 = arith.constant 1 : i32
      %add3A_517 = arith.addi %add3A_458, %add3A_516 : i32
      %dma_wait3A_518 = arith.constant 3 : i32
      %dma_wait3A_519 = arith.constant 0 : i32
      %dma_wait3A_520 = arith.constant 0 : i32
      %dma_wait3A_521 = tpu.memref_slice %arg6[%dma_wait3A_518, %dma_wait3A_519, %dma_wait3A_520] : memref<7x128x128xf32, #tpu.memory_space<vmem>> -> memref<1x128x128xf32, #tpu.memory_space<vmem>>
      %dma_wait3A_522 = tpu.memref_squeeze %dma_wait3A_521 : memref<1x128x128xf32, #tpu.memory_space<vmem>> -> memref<128x128xf32, #tpu.memory_space<vmem>>
      %dma_wait3A_523 = arith.constant 0 : i32
      %dma_wait3A_524 = tpu.memref_slice %arg5[%add3A_517, %dma_wait3A_523] : memref<50x128xi32, #tpu.memory_space<vmem>> -> memref<1x128xi32, #tpu.memory_space<vmem>>
      %dma_wait3A_525 = tpu.memref_squeeze %dma_wait3A_524 : memref<1x128xi32, #tpu.memory_space<vmem>> -> memref<128xi32, #tpu.memory_space<vmem>>
      %dma_wait3A_526 = arith.constant 0 : i32
      %dma_wait3A_527 = arith.constant 0 : i32
      %dma_wait3A_528 = tpu.memref_slice %arg2[%dma_wait3A_526, %dma_wait3A_527] : memref<100000x128xf32, #tpu.memory_space<hbm>> -> memref<100000x128xf32, #tpu.memory_space<hbm>>
      tpu.wait_indirect_dma semaphore(%arg10 : memref<!tpu.dma_semaphore, #tpu.memory_space<semaphore_mem>>) src(%dma_wait3A_528 : memref<100000x128xf32, #tpu.memory_space<hbm>>) dst(%dma_wait3A_522 : memref<128x128xf32, #tpu.memory_space<vmem>>)
      %dma_start3A_529 = arith.constant 3 : i32
      %dma_start3A_530 = arith.constant 0 : i32
      %dma_start3A_531 = arith.constant 0 : i32
      %dma_start3A_532 = tpu.memref_slice %arg6[%dma_start3A_529, %dma_start3A_530, %dma_start3A_531] : memref<7x128x128xf32, #tpu.memory_space<vmem>> -> memref<1x128x128xf32, #tpu.memory_space<vmem>>
      %dma_start3A_533 = tpu.memref_squeeze %dma_start3A_532 : memref<1x128x128xf32, #tpu.memory_space<vmem>> -> memref<128x128xf32, #tpu.memory_space<vmem>>
      %dma_start3A_534 = arith.constant 0 : i32
      %dma_start3A_535 = tpu.memref_slice %arg4[%add3A_517, %multiple_of3A, %dma_start3A_534] : memref<50x4096x128xf32, #tpu.memory_space<hbm>> -> memref<1x128x128xf32, #tpu.memory_space<hbm>>
      %dma_start3A_536 = tpu.memref_squeeze %dma_start3A_535 : memref<1x128x128xf32, #tpu.memory_space<hbm>> -> memref<128x128xf32, #tpu.memory_space<hbm>>
      %dma_start3A_537 = arith.constant 0 : i32
      %dma_start3A_538 = tpu.memref_slice %arg4[%add3A_517, %multiple_of3A, %dma_start3A_537] : memref<50x4096x128xf32, #tpu.memory_space<hbm>> -> memref<1x128x128xf32, #tpu.memory_space<hbm>>
      %dma_start3A_539 = tpu.memref_squeeze %dma_start3A_538 : memref<1x128x128xf32, #tpu.memory_space<hbm>> -> memref<128x128xf32, #tpu.memory_space<hbm>>
      %dma_start3A_540 = arith.constant 0 : i32
      %dma_start3A_541 = arith.constant 0 : i32
      %dma_start3A_542 = tpu.memref_slice %arg6[%dma_start3A_529, %dma_start3A_540, %dma_start3A_541] : memref<7x128x128xf32, #tpu.memory_space<vmem>> -> memref<1x128x128xf32, #tpu.memory_space<vmem>>
      %dma_start3A_543 = tpu.memref_squeeze %dma_start3A_542 : memref<1x128x128xf32, #tpu.memory_space<vmem>> -> memref<128x128xf32, #tpu.memory_space<vmem>>
      tpu.enqueue_dma source(%dma_start3A_543 : memref<128x128xf32, #tpu.memory_space<vmem>>) target(%dma_start3A_539 : memref<128x128xf32, #tpu.memory_space<hbm>>) target_semaphore(%arg17 : memref<!tpu.dma_semaphore, #tpu.memory_space<semaphore_mem>>)
      %sub3A_544 = arith.constant 2 : i32
      %sub3A_545 = arith.subi %add3A_517, %sub3A_544 : i32
      %dma_wait3A_546 = arith.constant 1 : i32
      %dma_wait3A_547 = arith.constant 0 : i32
      %dma_wait3A_548 = arith.constant 0 : i32
      %dma_wait3A_549 = tpu.memref_slice %arg6[%dma_wait3A_546, %dma_wait3A_547, %dma_wait3A_548] : memref<7x128x128xf32, #tpu.memory_space<vmem>> -> memref<1x128x128xf32, #tpu.memory_space<vmem>>
      %dma_wait3A_550 = tpu.memref_squeeze %dma_wait3A_549 : memref<1x128x128xf32, #tpu.memory_space<vmem>> -> memref<128x128xf32, #tpu.memory_space<vmem>>
      %dma_wait3A_551 = arith.constant 0 : i32
      %dma_wait3A_552 = tpu.memref_slice %arg4[%sub3A_545, %multiple_of3A, %dma_wait3A_551] : memref<50x4096x128xf32, #tpu.memory_space<hbm>> -> memref<1x128x128xf32, #tpu.memory_space<hbm>>
      %dma_wait3A_553 = tpu.memref_squeeze %dma_wait3A_552 : memref<1x128x128xf32, #tpu.memory_space<hbm>> -> memref<128x128xf32, #tpu.memory_space<hbm>>
      %dma_wait3A_554 = arith.constant 0 : i32
      %dma_wait3A_555 = tpu.memref_slice %arg4[%sub3A_545, %multiple_of3A, %dma_wait3A_554] : memref<50x4096x128xf32, #tpu.memory_space<hbm>> -> memref<1x128x128xf32, #tpu.memory_space<hbm>>
      %dma_wait3A_556 = tpu.memref_squeeze %dma_wait3A_555 : memref<1x128x128xf32, #tpu.memory_space<hbm>> -> memref<128x128xf32, #tpu.memory_space<hbm>>
      %dma_wait3A_557 = arith.constant 0 : i32
      %dma_wait3A_558 = arith.constant 0 : i32
      %dma_wait3A_559 = tpu.memref_slice %arg6[%dma_wait3A_546, %dma_wait3A_557, %dma_wait3A_558] : memref<7x128x128xf32, #tpu.memory_space<vmem>> -> memref<1x128x128xf32, #tpu.memory_space<vmem>>
      %dma_wait3A_560 = tpu.memref_squeeze %dma_wait3A_559 : memref<1x128x128xf32, #tpu.memory_space<vmem>> -> memref<128x128xf32, #tpu.memory_space<vmem>>
      tpu.wait_dma2 semaphore(%arg15 : memref<!tpu.dma_semaphore, #tpu.memory_space<semaphore_mem>>) src(%dma_wait3A_560 : memref<128x128xf32, #tpu.memory_space<vmem>>) dst(%dma_wait3A_556 : memref<128x128xf32, #tpu.memory_space<hbm>>)
      %add3A_561 = arith.constant 5 : i32
      %add3A_562 = arith.addi %add3A_517, %add3A_561 : i32
      %dma_start3A_563 = arith.constant 1 : i32
      %dma_start3A_564 = arith.constant 0 : i32
      %dma_start3A_565 = arith.constant 0 : i32
      %dma_start3A_566 = tpu.memref_slice %arg6[%dma_start3A_563, %dma_start3A_564, %dma_start3A_565] : memref<7x128x128xf32, #tpu.memory_space<vmem>> -> memref<1x128x128xf32, #tpu.memory_space<vmem>>
      %dma_start3A_567 = tpu.memref_squeeze %dma_start3A_566 : memref<1x128x128xf32, #tpu.memory_space<vmem>> -> memref<128x128xf32, #tpu.memory_space<vmem>>
      %dma_start3A_568 = arith.constant 0 : i32
      %dma_start3A_569 = tpu.memref_slice %arg5[%add3A_562, %dma_start3A_568] : memref<50x128xi32, #tpu.memory_space<vmem>> -> memref<1x128xi32, #tpu.memory_space<vmem>>
      %dma_start3A_570 = tpu.memref_squeeze %dma_start3A_569 : memref<1x128xi32, #tpu.memory_space<vmem>> -> memref<128xi32, #tpu.memory_space<vmem>>
      %dma_start3A_571 = arith.constant 0 : i32
      %dma_start3A_572 = arith.constant 0 : i32
      %dma_start3A_573 = tpu.memref_slice %arg2[%dma_start3A_571, %dma_start3A_572] : memref<100000x128xf32, #tpu.memory_space<hbm>> -> memref<100000x128xf32, #tpu.memory_space<hbm>>
      tpu.enqueue_indirect_dma source(%dma_start3A_573 : memref<100000x128xf32, #tpu.memory_space<hbm>>) target(%dma_start3A_567 : memref<128x128xf32, #tpu.memory_space<vmem>>) offsets(%dma_start3A_570 : memref<128xi32, #tpu.memory_space<vmem>>) semaphore(%arg8 : memref<!tpu.dma_semaphore, #tpu.memory_space<semaphore_mem>>)
      %add3A_574 = arith.constant 2 : i32
      %add3A_575 = arith.addi %add3A_458, %add3A_574 : i32
      %dma_wait3A_576 = arith.constant 4 : i32
      %dma_wait3A_577 = arith.constant 0 : i32
      %dma_wait3A_578 = arith.constant 0 : i32
      %dma_wait3A_579 = tpu.memref_slice %arg6[%dma_wait3A_576, %dma_wait3A_577, %dma_wait3A_578] : memref<7x128x128xf32, #tpu.memory_space<vmem>> -> memref<1x128x128xf32, #tpu.memory_space<vmem>>
      %dma_wait3A_580 = tpu.memref_squeeze %dma_wait3A_579 : memref<1x128x128xf32, #tpu.memory_space<vmem>> -> memref<128x128xf32, #tpu.memory_space<vmem>>
      %dma_wait3A_581 = arith.constant 0 : i32
      %dma_wait3A_582 = tpu.memref_slice %arg5[%add3A_575, %dma_wait3A_581] : memref<50x128xi32, #tpu.memory_space<vmem>> -> memref<1x128xi32, #tpu.memory_space<vmem>>
      %dma_wait3A_583 = tpu.memref_squeeze %dma_wait3A_582 : memref<1x128xi32, #tpu.memory_space<vmem>> -> memref<128xi32, #tpu.memory_space<vmem>>
      %dma_wait3A_584 = arith.constant 0 : i32
      %dma_wait3A_585 = arith.constant 0 : i32
      %dma_wait3A_586 = tpu.memref_slice %arg2[%dma_wait3A_584, %dma_wait3A_585] : memref<100000x128xf32, #tpu.memory_space<hbm>> -> memref<100000x128xf32, #tpu.memory_space<hbm>>
      tpu.wait_indirect_dma semaphore(%arg11 : memref<!tpu.dma_semaphore, #tpu.memory_space<semaphore_mem>>) src(%dma_wait3A_586 : memref<100000x128xf32, #tpu.memory_space<hbm>>) dst(%dma_wait3A_580 : memref<128x128xf32, #tpu.memory_space<vmem>>)
      %dma_start3A_587 = arith.constant 4 : i32
      %dma_start3A_588 = arith.constant 0 : i32
      %dma_start3A_589 = arith.constant 0 : i32
      %dma_start3A_590 = tpu.memref_slice %arg6[%dma_start3A_587, %dma_start3A_588, %dma_start3A_589] : memref<7x128x128xf32, #tpu.memory_space<vmem>> -> memref<1x128x128xf32, #tpu.memory_space<vmem>>
      %dma_start3A_591 = tpu.memref_squeeze %dma_start3A_590 : memref<1x128x128xf32, #tpu.memory_space<vmem>> -> memref<128x128xf32, #tpu.memory_space<vmem>>
      %dma_start3A_592 = arith.constant 0 : i32
      %dma_start3A_593 = tpu.memref_slice %arg4[%add3A_575, %multiple_of3A, %dma_start3A_592] : memref<50x4096x128xf32, #tpu.memory_space<hbm>> -> memref<1x128x128xf32, #tpu.memory_space<hbm>>
      %dma_start3A_594 = tpu.memref_squeeze %dma_start3A_593 : memref<1x128x128xf32, #tpu.memory_space<hbm>> -> memref<128x128xf32, #tpu.memory_space<hbm>>
      %dma_start3A_595 = arith.constant 0 : i32
      %dma_start3A_596 = tpu.memref_slice %arg4[%add3A_575, %multiple_of3A, %dma_start3A_595] : memref<50x4096x128xf32, #tpu.memory_space<hbm>> -> memref<1x128x128xf32, #tpu.memory_space<hbm>>
      %dma_start3A_597 = tpu.memref_squeeze %dma_start3A_596 : memref<1x128x128xf32, #tpu.memory_space<hbm>> -> memref<128x128xf32, #tpu.memory_space<hbm>>
      %dma_start3A_598 = arith.constant 0 : i32
      %dma_start3A_599 = arith.constant 0 : i32
      %dma_start3A_600 = tpu.memref_slice %arg6[%dma_start3A_587, %dma_start3A_598, %dma_start3A_599] : memref<7x128x128xf32, #tpu.memory_space<vmem>> -> memref<1x128x128xf32, #tpu.memory_space<vmem>>
      %dma_start3A_601 = tpu.memref_squeeze %dma_start3A_600 : memref<1x128x128xf32, #tpu.memory_space<vmem>> -> memref<128x128xf32, #tpu.memory_space<vmem>>
      tpu.enqueue_dma source(%dma_start3A_601 : memref<128x128xf32, #tpu.memory_space<vmem>>) target(%dma_start3A_597 : memref<128x128xf32, #tpu.memory_space<hbm>>) target_semaphore(%arg18 : memref<!tpu.dma_semaphore, #tpu.memory_space<semaphore_mem>>)
      %sub3A_602 = arith.constant 2 : i32
      %sub3A_603 = arith.subi %add3A_575, %sub3A_602 : i32
      %dma_wait3A_604 = arith.constant 2 : i32
      %dma_wait3A_605 = arith.constant 0 : i32
      %dma_wait3A_606 = arith.constant 0 : i32
      %dma_wait3A_607 = tpu.memref_slice %arg6[%dma_wait3A_604, %dma_wait3A_605, %dma_wait3A_606] : memref<7x128x128xf32, #tpu.memory_space<vmem>> -> memref<1x128x128xf32, #tpu.memory_space<vmem>>
      %dma_wait3A_608 = tpu.memref_squeeze %dma_wait3A_607 : memref<1x128x128xf32, #tpu.memory_space<vmem>> -> memref<128x128xf32, #tpu.memory_space<vmem>>
      %dma_wait3A_609 = arith.constant 0 : i32
      %dma_wait3A_610 = tpu.memref_slice %arg4[%sub3A_603, %multiple_of3A, %dma_wait3A_609] : memref<50x4096x128xf32, #tpu.memory_space<hbm>> -> memref<1x128x128xf32, #tpu.memory_space<hbm>>
      %dma_wait3A_611 = tpu.memref_squeeze %dma_wait3A_610 : memref<1x128x128xf32, #tpu.memory_space<hbm>> -> memref<128x128xf32, #tpu.memory_space<hbm>>
      %dma_wait3A_612 = arith.constant 0 : i32
      %dma_wait3A_613 = tpu.memref_slice %arg4[%sub3A_603, %multiple_of3A, %dma_wait3A_612] : memref<50x4096x128xf32, #tpu.memory_space<hbm>> -> memref<1x128x128xf32, #tpu.memory_space<hbm>>
      %dma_wait3A_614 = tpu.memref_squeeze %dma_wait3A_613 : memref<1x128x128xf32, #tpu.memory_space<hbm>> -> memref<128x128xf32, #tpu.memory_space<hbm>>
      %dma_wait3A_615 = arith.constant 0 : i32
      %dma_wait3A_616 = arith.constant 0 : i32
      %dma_wait3A_617 = tpu.memref_slice %arg6[%dma_wait3A_604, %dma_wait3A_615, %dma_wait3A_616] : memref<7x128x128xf32, #tpu.memory_space<vmem>> -> memref<1x128x128xf32, #tpu.memory_space<vmem>>
      %dma_wait3A_618 = tpu.memref_squeeze %dma_wait3A_617 : memref<1x128x128xf32, #tpu.memory_space<vmem>> -> memref<128x128xf32, #tpu.memory_space<vmem>>
      tpu.wait_dma2 semaphore(%arg16 : memref<!tpu.dma_semaphore, #tpu.memory_space<semaphore_mem>>) src(%dma_wait3A_618 : memref<128x128xf32, #tpu.memory_space<vmem>>) dst(%dma_wait3A_614 : memref<128x128xf32, #tpu.memory_space<hbm>>)
      %add3A_619 = arith.constant 5 : i32
      %add3A_620 = arith.addi %add3A_575, %add3A_619 : i32
      %dma_start3A_621 = arith.constant 2 : i32
      %dma_start3A_622 = arith.constant 0 : i32
      %dma_start3A_623 = arith.constant 0 : i32
      %dma_start3A_624 = tpu.memref_slice %arg6[%dma_start3A_621, %dma_start3A_622, %dma_start3A_623] : memref<7x128x128xf32, #tpu.memory_space<vmem>> -> memref<1x128x128xf32, #tpu.memory_space<vmem>>
      %dma_start3A_625 = tpu.memref_squeeze %dma_start3A_624 : memref<1x128x128xf32, #tpu.memory_space<vmem>> -> memref<128x128xf32, #tpu.memory_space<vmem>>
      %dma_start3A_626 = arith.constant 0 : i32
      %dma_start3A_627 = tpu.memref_slice %arg5[%add3A_620, %dma_start3A_626] : memref<50x128xi32, #tpu.memory_space<vmem>> -> memref<1x128xi32, #tpu.memory_space<vmem>>
      %dma_start3A_628 = tpu.memref_squeeze %dma_start3A_627 : memref<1x128xi32, #tpu.memory_space<vmem>> -> memref<128xi32, #tpu.memory_space<vmem>>
      %dma_start3A_629 = arith.constant 0 : i32
      %dma_start3A_630 = arith.constant 0 : i32
      %dma_start3A_631 = tpu.memref_slice %arg2[%dma_start3A_629, %dma_start3A_630] : memref<100000x128xf32, #tpu.memory_space<hbm>> -> memref<100000x128xf32, #tpu.memory_space<hbm>>
      tpu.enqueue_indirect_dma source(%dma_start3A_631 : memref<100000x128xf32, #tpu.memory_space<hbm>>) target(%dma_start3A_625 : memref<128x128xf32, #tpu.memory_space<vmem>>) offsets(%dma_start3A_628 : memref<128xi32, #tpu.memory_space<vmem>>) semaphore(%arg9 : memref<!tpu.dma_semaphore, #tpu.memory_space<semaphore_mem>>)
      %add3A_632 = arith.constant 3 : i32
      %add3A_633 = arith.addi %add3A_458, %add3A_632 : i32
      %dma_wait3A_634 = arith.constant 5 : i32
      %dma_wait3A_635 = arith.constant 0 : i32
      %dma_wait3A_636 = arith.constant 0 : i32
      %dma_wait3A_637 = tpu.memref_slice %arg6[%dma_wait3A_634, %dma_wait3A_635, %dma_wait3A_636] : memref<7x128x128xf32, #tpu.memory_space<vmem>> -> memref<1x128x128xf32, #tpu.memory_space<vmem>>
      %dma_wait3A_638 = tpu.memref_squeeze %dma_wait3A_637 : memref<1x128x128xf32, #tpu.memory_space<vmem>> -> memref<128x128xf32, #tpu.memory_space<vmem>>
      %dma_wait3A_639 = arith.constant 0 : i32
      %dma_wait3A_640 = tpu.memref_slice %arg5[%add3A_633, %dma_wait3A_639] : memref<50x128xi32, #tpu.memory_space<vmem>> -> memref<1x128xi32, #tpu.memory_space<vmem>>
      %dma_wait3A_641 = tpu.memref_squeeze %dma_wait3A_640 : memref<1x128xi32, #tpu.memory_space<vmem>> -> memref<128xi32, #tpu.memory_space<vmem>>
      %dma_wait3A_642 = arith.constant 0 : i32
      %dma_wait3A_643 = arith.constant 0 : i32
      %dma_wait3A_644 = tpu.memref_slice %arg2[%dma_wait3A_642, %dma_wait3A_643] : memref<100000x128xf32, #tpu.memory_space<hbm>> -> memref<100000x128xf32, #tpu.memory_space<hbm>>
      tpu.wait_indirect_dma semaphore(%arg12 : memref<!tpu.dma_semaphore, #tpu.memory_space<semaphore_mem>>) src(%dma_wait3A_644 : memref<100000x128xf32, #tpu.memory_space<hbm>>) dst(%dma_wait3A_638 : memref<128x128xf32, #tpu.memory_space<vmem>>)
      %dma_start3A_645 = arith.constant 5 : i32
      %dma_start3A_646 = arith.constant 0 : i32
      %dma_start3A_647 = arith.constant 0 : i32
      %dma_start3A_648 = tpu.memref_slice %arg6[%dma_start3A_645, %dma_start3A_646, %dma_start3A_647] : memref<7x128x128xf32, #tpu.memory_space<vmem>> -> memref<1x128x128xf32, #tpu.memory_space<vmem>>
      %dma_start3A_649 = tpu.memref_squeeze %dma_start3A_648 : memref<1x128x128xf32, #tpu.memory_space<vmem>> -> memref<128x128xf32, #tpu.memory_space<vmem>>
      %dma_start3A_650 = arith.constant 0 : i32
      %dma_start3A_651 = tpu.memref_slice %arg4[%add3A_633, %multiple_of3A, %dma_start3A_650] : memref<50x4096x128xf32, #tpu.memory_space<hbm>> -> memref<1x128x128xf32, #tpu.memory_space<hbm>>
      %dma_start3A_652 = tpu.memref_squeeze %dma_start3A_651 : memref<1x128x128xf32, #tpu.memory_space<hbm>> -> memref<128x128xf32, #tpu.memory_space<hbm>>
      %dma_start3A_653 = arith.constant 0 : i32
      %dma_start3A_654 = tpu.memref_slice %arg4[%add3A_633, %multiple_of3A, %dma_start3A_653] : memref<50x4096x128xf32, #tpu.memory_space<hbm>> -> memref<1x128x128xf32, #tpu.memory_space<hbm>>
      %dma_start3A_655 = tpu.memref_squeeze %dma_start3A_654 : memref<1x128x128xf32, #tpu.memory_space<hbm>> -> memref<128x128xf32, #tpu.memory_space<hbm>>
      %dma_start3A_656 = arith.constant 0 : i32
      %dma_start3A_657 = arith.constant 0 : i32
      %dma_start3A_658 = tpu.memref_slice %arg6[%dma_start3A_645, %dma_start3A_656, %dma_start3A_657] : memref<7x128x128xf32, #tpu.memory_space<vmem>> -> memref<1x128x128xf32, #tpu.memory_space<vmem>>
      %dma_start3A_659 = tpu.memref_squeeze %dma_start3A_658 : memref<1x128x128xf32, #tpu.memory_space<vmem>> -> memref<128x128xf32, #tpu.memory_space<vmem>>
      tpu.enqueue_dma source(%dma_start3A_659 : memref<128x128xf32, #tpu.memory_space<vmem>>) target(%dma_start3A_655 : memref<128x128xf32, #tpu.memory_space<hbm>>) target_semaphore(%arg19 : memref<!tpu.dma_semaphore, #tpu.memory_space<semaphore_mem>>)
      %sub3A_660 = arith.constant 2 : i32
      %sub3A_661 = arith.subi %add3A_633, %sub3A_660 : i32
      %dma_wait3A_662 = arith.constant 3 : i32
      %dma_wait3A_663 = arith.constant 0 : i32
      %dma_wait3A_664 = arith.constant 0 : i32
      %dma_wait3A_665 = tpu.memref_slice %arg6[%dma_wait3A_662, %dma_wait3A_663, %dma_wait3A_664] : memref<7x128x128xf32, #tpu.memory_space<vmem>> -> memref<1x128x128xf32, #tpu.memory_space<vmem>>
      %dma_wait3A_666 = tpu.memref_squeeze %dma_wait3A_665 : memref<1x128x128xf32, #tpu.memory_space<vmem>> -> memref<128x128xf32, #tpu.memory_space<vmem>>
      %dma_wait3A_667 = arith.constant 0 : i32
      %dma_wait3A_668 = tpu.memref_slice %arg4[%sub3A_661, %multiple_of3A, %dma_wait3A_667] : memref<50x4096x128xf32, #tpu.memory_space<hbm>> -> memref<1x128x128xf32, #tpu.memory_space<hbm>>
      %dma_wait3A_669 = tpu.memref_squeeze %dma_wait3A_668 : memref<1x128x128xf32, #tpu.memory_space<hbm>> -> memref<128x128xf32, #tpu.memory_space<hbm>>
      %dma_wait3A_670 = arith.constant 0 : i32
      %dma_wait3A_671 = tpu.memref_slice %arg4[%sub3A_661, %multiple_of3A, %dma_wait3A_670] : memref<50x4096x128xf32, #tpu.memory_space<hbm>> -> memref<1x128x128xf32, #tpu.memory_space<hbm>>
      %dma_wait3A_672 = tpu.memref_squeeze %dma_wait3A_671 : memref<1x128x128xf32, #tpu.memory_space<hbm>> -> memref<128x128xf32, #tpu.memory_space<hbm>>
      %dma_wait3A_673 = arith.constant 0 : i32
      %dma_wait3A_674 = arith.constant 0 : i32
      %dma_wait3A_675 = tpu.memref_slice %arg6[%dma_wait3A_662, %dma_wait3A_673, %dma_wait3A_674] : memref<7x128x128xf32, #tpu.memory_space<vmem>> -> memref<1x128x128xf32, #tpu.memory_space<vmem>>
      %dma_wait3A_676 = tpu.memref_squeeze %dma_wait3A_675 : memref<1x128x128xf32, #tpu.memory_space<vmem>> -> memref<128x128xf32, #tpu.memory_space<vmem>>
      tpu.wait_dma2 semaphore(%arg17 : memref<!tpu.dma_semaphore, #tpu.memory_space<semaphore_mem>>) src(%dma_wait3A_676 : memref<128x128xf32, #tpu.memory_space<vmem>>) dst(%dma_wait3A_672 : memref<128x128xf32, #tpu.memory_space<hbm>>)
      %add3A_677 = arith.constant 5 : i32
      %add3A_678 = arith.addi %add3A_633, %add3A_677 : i32
      %dma_start3A_679 = arith.constant 3 : i32
      %dma_start3A_680 = arith.constant 0 : i32
      %dma_start3A_681 = arith.constant 0 : i32
      %dma_start3A_682 = tpu.memref_slice %arg6[%dma_start3A_679, %dma_start3A_680, %dma_start3A_681] : memref<7x128x128xf32, #tpu.memory_space<vmem>> -> memref<1x128x128xf32, #tpu.memory_space<vmem>>
      %dma_start3A_683 = tpu.memref_squeeze %dma_start3A_682 : memref<1x128x128xf32, #tpu.memory_space<vmem>> -> memref<128x128xf32, #tpu.memory_space<vmem>>
      %dma_start3A_684 = arith.constant 0 : i32
      %dma_start3A_685 = tpu.memref_slice %arg5[%add3A_678, %dma_start3A_684] : memref<50x128xi32, #tpu.memory_space<vmem>> -> memref<1x128xi32, #tpu.memory_space<vmem>>
      %dma_start3A_686 = tpu.memref_squeeze %dma_start3A_685 : memref<1x128xi32, #tpu.memory_space<vmem>> -> memref<128xi32, #tpu.memory_space<vmem>>
      %dma_start3A_687 = arith.constant 0 : i32
      %dma_start3A_688 = arith.constant 0 : i32
      %dma_start3A_689 = tpu.memref_slice %arg2[%dma_start3A_687, %dma_start3A_688] : memref<100000x128xf32, #tpu.memory_space<hbm>> -> memref<100000x128xf32, #tpu.memory_space<hbm>>
      tpu.enqueue_indirect_dma source(%dma_start3A_689 : memref<100000x128xf32, #tpu.memory_space<hbm>>) target(%dma_start3A_683 : memref<128x128xf32, #tpu.memory_space<vmem>>) offsets(%dma_start3A_686 : memref<128xi32, #tpu.memory_space<vmem>>) semaphore(%arg10 : memref<!tpu.dma_semaphore, #tpu.memory_space<semaphore_mem>>)
      %add3A_690 = arith.constant 4 : i32
      %add3A_691 = arith.addi %add3A_458, %add3A_690 : i32
      %dma_wait3A_692 = arith.constant 6 : i32
      %dma_wait3A_693 = arith.constant 0 : i32
      %dma_wait3A_694 = arith.constant 0 : i32
      %dma_wait3A_695 = tpu.memref_slice %arg6[%dma_wait3A_692, %dma_wait3A_693, %dma_wait3A_694] : memref<7x128x128xf32, #tpu.memory_space<vmem>> -> memref<1x128x128xf32, #tpu.memory_space<vmem>>
      %dma_wait3A_696 = tpu.memref_squeeze %dma_wait3A_695 : memref<1x128x128xf32, #tpu.memory_space<vmem>> -> memref<128x128xf32, #tpu.memory_space<vmem>>
      %dma_wait3A_697 = arith.constant 0 : i32
      %dma_wait3A_698 = tpu.memref_slice %arg5[%add3A_691, %dma_wait3A_697] : memref<50x128xi32, #tpu.memory_space<vmem>> -> memref<1x128xi32, #tpu.memory_space<vmem>>
      %dma_wait3A_699 = tpu.memref_squeeze %dma_wait3A_698 : memref<1x128xi32, #tpu.memory_space<vmem>> -> memref<128xi32, #tpu.memory_space<vmem>>
      %dma_wait3A_700 = arith.constant 0 : i32
      %dma_wait3A_701 = arith.constant 0 : i32
      %dma_wait3A_702 = tpu.memref_slice %arg2[%dma_wait3A_700, %dma_wait3A_701] : memref<100000x128xf32, #tpu.memory_space<hbm>> -> memref<100000x128xf32, #tpu.memory_space<hbm>>
      tpu.wait_indirect_dma semaphore(%arg13 : memref<!tpu.dma_semaphore, #tpu.memory_space<semaphore_mem>>) src(%dma_wait3A_702 : memref<100000x128xf32, #tpu.memory_space<hbm>>) dst(%dma_wait3A_696 : memref<128x128xf32, #tpu.memory_space<vmem>>)
      %dma_start3A_703 = arith.constant 6 : i32
      %dma_start3A_704 = arith.constant 0 : i32
      %dma_start3A_705 = arith.constant 0 : i32
      %dma_start3A_706 = tpu.memref_slice %arg6[%dma_start3A_703, %dma_start3A_704, %dma_start3A_705] : memref<7x128x128xf32, #tpu.memory_space<vmem>> -> memref<1x128x128xf32, #tpu.memory_space<vmem>>
      %dma_start3A_707 = tpu.memref_squeeze %dma_start3A_706 : memref<1x128x128xf32, #tpu.memory_space<vmem>> -> memref<128x128xf32, #tpu.memory_space<vmem>>
      %dma_start3A_708 = arith.constant 0 : i32
      %dma_start3A_709 = tpu.memref_slice %arg4[%add3A_691, %multiple_of3A, %dma_start3A_708] : memref<50x4096x128xf32, #tpu.memory_space<hbm>> -> memref<1x128x128xf32, #tpu.memory_space<hbm>>
      %dma_start3A_710 = tpu.memref_squeeze %dma_start3A_709 : memref<1x128x128xf32, #tpu.memory_space<hbm>> -> memref<128x128xf32, #tpu.memory_space<hbm>>
      %dma_start3A_711 = arith.constant 0 : i32
      %dma_start3A_712 = tpu.memref_slice %arg4[%add3A_691, %multiple_of3A, %dma_start3A_711] : memref<50x4096x128xf32, #tpu.memory_space<hbm>> -> memref<1x128x128xf32, #tpu.memory_space<hbm>>
      %dma_start3A_713 = tpu.memref_squeeze %dma_start3A_712 : memref<1x128x128xf32, #tpu.memory_space<hbm>> -> memref<128x128xf32, #tpu.memory_space<hbm>>
      %dma_start3A_714 = arith.constant 0 : i32
      %dma_start3A_715 = arith.constant 0 : i32
      %dma_start3A_716 = tpu.memref_slice %arg6[%dma_start3A_703, %dma_start3A_714, %dma_start3A_715] : memref<7x128x128xf32, #tpu.memory_space<vmem>> -> memref<1x128x128xf32, #tpu.memory_space<vmem>>
      %dma_start3A_717 = tpu.memref_squeeze %dma_start3A_716 : memref<1x128x128xf32, #tpu.memory_space<vmem>> -> memref<128x128xf32, #tpu.memory_space<vmem>>
      tpu.enqueue_dma source(%dma_start3A_717 : memref<128x128xf32, #tpu.memory_space<vmem>>) target(%dma_start3A_713 : memref<128x128xf32, #tpu.memory_space<hbm>>) target_semaphore(%arg20 : memref<!tpu.dma_semaphore, #tpu.memory_space<semaphore_mem>>)
      %sub3A_718 = arith.constant 2 : i32
      %sub3A_719 = arith.subi %add3A_691, %sub3A_718 : i32
      %dma_wait3A_720 = arith.constant 4 : i32
      %dma_wait3A_721 = arith.constant 0 : i32
      %dma_wait3A_722 = arith.constant 0 : i32
      %dma_wait3A_723 = tpu.memref_slice %arg6[%dma_wait3A_720, %dma_wait3A_721, %dma_wait3A_722] : memref<7x128x128xf32, #tpu.memory_space<vmem>> -> memref<1x128x128xf32, #tpu.memory_space<vmem>>
      %dma_wait3A_724 = tpu.memref_squeeze %dma_wait3A_723 : memref<1x128x128xf32, #tpu.memory_space<vmem>> -> memref<128x128xf32, #tpu.memory_space<vmem>>
      %dma_wait3A_725 = arith.constant 0 : i32
      %dma_wait3A_726 = tpu.memref_slice %arg4[%sub3A_719, %multiple_of3A, %dma_wait3A_725] : memref<50x4096x128xf32, #tpu.memory_space<hbm>> -> memref<1x128x128xf32, #tpu.memory_space<hbm>>
      %dma_wait3A_727 = tpu.memref_squeeze %dma_wait3A_726 : memref<1x128x128xf32, #tpu.memory_space<hbm>> -> memref<128x128xf32, #tpu.memory_space<hbm>>
      %dma_wait3A_728 = arith.constant 0 : i32
      %dma_wait3A_729 = tpu.memref_slice %arg4[%sub3A_719, %multiple_of3A, %dma_wait3A_728] : memref<50x4096x128xf32, #tpu.memory_space<hbm>> -> memref<1x128x128xf32, #tpu.memory_space<hbm>>
      %dma_wait3A_730 = tpu.memref_squeeze %dma_wait3A_729 : memref<1x128x128xf32, #tpu.memory_space<hbm>> -> memref<128x128xf32, #tpu.memory_space<hbm>>
      %dma_wait3A_731 = arith.constant 0 : i32
      %dma_wait3A_732 = arith.constant 0 : i32
      %dma_wait3A_733 = tpu.memref_slice %arg6[%dma_wait3A_720, %dma_wait3A_731, %dma_wait3A_732] : memref<7x128x128xf32, #tpu.memory_space<vmem>> -> memref<1x128x128xf32, #tpu.memory_space<vmem>>
      %dma_wait3A_734 = tpu.memref_squeeze %dma_wait3A_733 : memref<1x128x128xf32, #tpu.memory_space<vmem>> -> memref<128x128xf32, #tpu.memory_space<vmem>>
      tpu.wait_dma2 semaphore(%arg18 : memref<!tpu.dma_semaphore, #tpu.memory_space<semaphore_mem>>) src(%dma_wait3A_734 : memref<128x128xf32, #tpu.memory_space<vmem>>) dst(%dma_wait3A_730 : memref<128x128xf32, #tpu.memory_space<hbm>>)
      %add3A_735 = arith.constant 5 : i32
      %add3A_736 = arith.addi %add3A_691, %add3A_735 : i32
      %dma_start3A_737 = arith.constant 4 : i32
      %dma_start3A_738 = arith.constant 0 : i32
      %dma_start3A_739 = arith.constant 0 : i32
      %dma_start3A_740 = tpu.memref_slice %arg6[%dma_start3A_737, %dma_start3A_738, %dma_start3A_739] : memref<7x128x128xf32, #tpu.memory_space<vmem>> -> memref<1x128x128xf32, #tpu.memory_space<vmem>>
      %dma_start3A_741 = tpu.memref_squeeze %dma_start3A_740 : memref<1x128x128xf32, #tpu.memory_space<vmem>> -> memref<128x128xf32, #tpu.memory_space<vmem>>
      %dma_start3A_742 = arith.constant 0 : i32
      %dma_start3A_743 = tpu.memref_slice %arg5[%add3A_736, %dma_start3A_742] : memref<50x128xi32, #tpu.memory_space<vmem>> -> memref<1x128xi32, #tpu.memory_space<vmem>>
      %dma_start3A_744 = tpu.memref_squeeze %dma_start3A_743 : memref<1x128xi32, #tpu.memory_space<vmem>> -> memref<128xi32, #tpu.memory_space<vmem>>
      %dma_start3A_745 = arith.constant 0 : i32
      %dma_start3A_746 = arith.constant 0 : i32
      %dma_start3A_747 = tpu.memref_slice %arg2[%dma_start3A_745, %dma_start3A_746] : memref<100000x128xf32, #tpu.memory_space<hbm>> -> memref<100000x128xf32, #tpu.memory_space<hbm>>
      tpu.enqueue_indirect_dma source(%dma_start3A_747 : memref<100000x128xf32, #tpu.memory_space<hbm>>) target(%dma_start3A_741 : memref<128x128xf32, #tpu.memory_space<vmem>>) offsets(%dma_start3A_744 : memref<128xi32, #tpu.memory_space<vmem>>) semaphore(%arg11 : memref<!tpu.dma_semaphore, #tpu.memory_space<semaphore_mem>>)
      %add3A_748 = arith.constant 5 : i32
      %add3A_749 = arith.addi %add3A_458, %add3A_748 : i32
      %dma_wait3A_750 = arith.constant 0 : i32
      %dma_wait3A_751 = arith.constant 0 : i32
      %dma_wait3A_752 = arith.constant 0 : i32
      %dma_wait3A_753 = tpu.memref_slice %arg6[%dma_wait3A_750, %dma_wait3A_751, %dma_wait3A_752] : memref<7x128x128xf32, #tpu.memory_space<vmem>> -> memref<1x128x128xf32, #tpu.memory_space<vmem>>
      %dma_wait3A_754 = tpu.memref_squeeze %dma_wait3A_753 : memref<1x128x128xf32, #tpu.memory_space<vmem>> -> memref<128x128xf32, #tpu.memory_space<vmem>>
      %dma_wait3A_755 = arith.constant 0 : i32
      %dma_wait3A_756 = tpu.memref_slice %arg5[%add3A_749, %dma_wait3A_755] : memref<50x128xi32, #tpu.memory_space<vmem>> -> memref<1x128xi32, #tpu.memory_space<vmem>>
      %dma_wait3A_757 = tpu.memref_squeeze %dma_wait3A_756 : memref<1x128xi32, #tpu.memory_space<vmem>> -> memref<128xi32, #tpu.memory_space<vmem>>
      %dma_wait3A_758 = arith.constant 0 : i32
      %dma_wait3A_759 = arith.constant 0 : i32
      %dma_wait3A_760 = tpu.memref_slice %arg2[%dma_wait3A_758, %dma_wait3A_759] : memref<100000x128xf32, #tpu.memory_space<hbm>> -> memref<100000x128xf32, #tpu.memory_space<hbm>>
      tpu.wait_indirect_dma semaphore(%arg7 : memref<!tpu.dma_semaphore, #tpu.memory_space<semaphore_mem>>) src(%dma_wait3A_760 : memref<100000x128xf32, #tpu.memory_space<hbm>>) dst(%dma_wait3A_754 : memref<128x128xf32, #tpu.memory_space<vmem>>)
      %dma_start3A_761 = arith.constant 0 : i32
      %dma_start3A_762 = arith.constant 0 : i32
      %dma_start3A_763 = arith.constant 0 : i32
      %dma_start3A_764 = tpu.memref_slice %arg6[%dma_start3A_761, %dma_start3A_762, %dma_start3A_763] : memref<7x128x128xf32, #tpu.memory_space<vmem>> -> memref<1x128x128xf32, #tpu.memory_space<vmem>>
      %dma_start3A_765 = tpu.memref_squeeze %dma_start3A_764 : memref<1x128x128xf32, #tpu.memory_space<vmem>> -> memref<128x128xf32, #tpu.memory_space<vmem>>
      %dma_start3A_766 = arith.constant 0 : i32
      %dma_start3A_767 = tpu.memref_slice %arg4[%add3A_749, %multiple_of3A, %dma_start3A_766] : memref<50x4096x128xf32, #tpu.memory_space<hbm>> -> memref<1x128x128xf32, #tpu.memory_space<hbm>>
      %dma_start3A_768 = tpu.memref_squeeze %dma_start3A_767 : memref<1x128x128xf32, #tpu.memory_space<hbm>> -> memref<128x128xf32, #tpu.memory_space<hbm>>
      %dma_start3A_769 = arith.constant 0 : i32
      %dma_start3A_770 = tpu.memref_slice %arg4[%add3A_749, %multiple_of3A, %dma_start3A_769] : memref<50x4096x128xf32, #tpu.memory_space<hbm>> -> memref<1x128x128xf32, #tpu.memory_space<hbm>>
      %dma_start3A_771 = tpu.memref_squeeze %dma_start3A_770 : memref<1x128x128xf32, #tpu.memory_space<hbm>> -> memref<128x128xf32, #tpu.memory_space<hbm>>
      %dma_start3A_772 = arith.constant 0 : i32
      %dma_start3A_773 = arith.constant 0 : i32
      %dma_start3A_774 = tpu.memref_slice %arg6[%dma_start3A_761, %dma_start3A_772, %dma_start3A_773] : memref<7x128x128xf32, #tpu.memory_space<vmem>> -> memref<1x128x128xf32, #tpu.memory_space<vmem>>
      %dma_start3A_775 = tpu.memref_squeeze %dma_start3A_774 : memref<1x128x128xf32, #tpu.memory_space<vmem>> -> memref<128x128xf32, #tpu.memory_space<vmem>>
      tpu.enqueue_dma source(%dma_start3A_775 : memref<128x128xf32, #tpu.memory_space<vmem>>) target(%dma_start3A_771 : memref<128x128xf32, #tpu.memory_space<hbm>>) target_semaphore(%arg14 : memref<!tpu.dma_semaphore, #tpu.memory_space<semaphore_mem>>)
      %sub3A_776 = arith.constant 2 : i32
      %sub3A_777 = arith.subi %add3A_749, %sub3A_776 : i32
      %dma_wait3A_778 = arith.constant 5 : i32
      %dma_wait3A_779 = arith.constant 0 : i32
      %dma_wait3A_780 = arith.constant 0 : i32
      %dma_wait3A_781 = tpu.memref_slice %arg6[%dma_wait3A_778, %dma_wait3A_779, %dma_wait3A_780] : memref<7x128x128xf32, #tpu.memory_space<vmem>> -> memref<1x128x128xf32, #tpu.memory_space<vmem>>
      %dma_wait3A_782 = tpu.memref_squeeze %dma_wait3A_781 : memref<1x128x128xf32, #tpu.memory_space<vmem>> -> memref<128x128xf32, #tpu.memory_space<vmem>>
      %dma_wait3A_783 = arith.constant 0 : i32
      %dma_wait3A_784 = tpu.memref_slice %arg4[%sub3A_777, %multiple_of3A, %dma_wait3A_783] : memref<50x4096x128xf32, #tpu.memory_space<hbm>> -> memref<1x128x128xf32, #tpu.memory_space<hbm>>
      %dma_wait3A_785 = tpu.memref_squeeze %dma_wait3A_784 : memref<1x128x128xf32, #tpu.memory_space<hbm>> -> memref<128x128xf32, #tpu.memory_space<hbm>>
      %dma_wait3A_786 = arith.constant 0 : i32
      %dma_wait3A_787 = tpu.memref_slice %arg4[%sub3A_777, %multiple_of3A, %dma_wait3A_786] : memref<50x4096x128xf32, #tpu.memory_space<hbm>> -> memref<1x128x128xf32, #tpu.memory_space<hbm>>
      %dma_wait3A_788 = tpu.memref_squeeze %dma_wait3A_787 : memref<1x128x128xf32, #tpu.memory_space<hbm>> -> memref<128x128xf32, #tpu.memory_space<hbm>>
      %dma_wait3A_789 = arith.constant 0 : i32
      %dma_wait3A_790 = arith.constant 0 : i32
      %dma_wait3A_791 = tpu.memref_slice %arg6[%dma_wait3A_778, %dma_wait3A_789, %dma_wait3A_790] : memref<7x128x128xf32, #tpu.memory_space<vmem>> -> memref<1x128x128xf32, #tpu.memory_space<vmem>>
      %dma_wait3A_792 = tpu.memref_squeeze %dma_wait3A_791 : memref<1x128x128xf32, #tpu.memory_space<vmem>> -> memref<128x128xf32, #tpu.memory_space<vmem>>
      tpu.wait_dma2 semaphore(%arg19 : memref<!tpu.dma_semaphore, #tpu.memory_space<semaphore_mem>>) src(%dma_wait3A_792 : memref<128x128xf32, #tpu.memory_space<vmem>>) dst(%dma_wait3A_788 : memref<128x128xf32, #tpu.memory_space<hbm>>)
      %add3A_793 = arith.constant 5 : i32
      %add3A_794 = arith.addi %add3A_749, %add3A_793 : i32
      %dma_start3A_795 = arith.constant 5 : i32
      %dma_start3A_796 = arith.constant 0 : i32
      %dma_start3A_797 = arith.constant 0 : i32
      %dma_start3A_798 = tpu.memref_slice %arg6[%dma_start3A_795, %dma_start3A_796, %dma_start3A_797] : memref<7x128x128xf32, #tpu.memory_space<vmem>> -> memref<1x128x128xf32, #tpu.memory_space<vmem>>
      %dma_start3A_799 = tpu.memref_squeeze %dma_start3A_798 : memref<1x128x128xf32, #tpu.memory_space<vmem>> -> memref<128x128xf32, #tpu.memory_space<vmem>>
      %dma_start3A_800 = arith.constant 0 : i32
      %dma_start3A_801 = tpu.memref_slice %arg5[%add3A_794, %dma_start3A_800] : memref<50x128xi32, #tpu.memory_space<vmem>> -> memref<1x128xi32, #tpu.memory_space<vmem>>
      %dma_start3A_802 = tpu.memref_squeeze %dma_start3A_801 : memref<1x128xi32, #tpu.memory_space<vmem>> -> memref<128xi32, #tpu.memory_space<vmem>>
      %dma_start3A_803 = arith.constant 0 : i32
      %dma_start3A_804 = arith.constant 0 : i32
      %dma_start3A_805 = tpu.memref_slice %arg2[%dma_start3A_803, %dma_start3A_804] : memref<100000x128xf32, #tpu.memory_space<hbm>> -> memref<100000x128xf32, #tpu.memory_space<hbm>>
      tpu.enqueue_indirect_dma source(%dma_start3A_805 : memref<100000x128xf32, #tpu.memory_space<hbm>>) target(%dma_start3A_799 : memref<128x128xf32, #tpu.memory_space<vmem>>) offsets(%dma_start3A_802 : memref<128xi32, #tpu.memory_space<vmem>>) semaphore(%arg12 : memref<!tpu.dma_semaphore, #tpu.memory_space<semaphore_mem>>)
      %add3A_806 = arith.constant 6 : i32
      %add3A_807 = arith.addi %add3A_458, %add3A_806 : i32
      %dma_wait3A_808 = arith.constant 1 : i32
      %dma_wait3A_809 = arith.constant 0 : i32
      %dma_wait3A_810 = arith.constant 0 : i32
      %dma_wait3A_811 = tpu.memref_slice %arg6[%dma_wait3A_808, %dma_wait3A_809, %dma_wait3A_810] : memref<7x128x128xf32, #tpu.memory_space<vmem>> -> memref<1x128x128xf32, #tpu.memory_space<vmem>>
      %dma_wait3A_812 = tpu.memref_squeeze %dma_wait3A_811 : memref<1x128x128xf32, #tpu.memory_space<vmem>> -> memref<128x128xf32, #tpu.memory_space<vmem>>
      %dma_wait3A_813 = arith.constant 0 : i32
      %dma_wait3A_814 = tpu.memref_slice %arg5[%add3A_807, %dma_wait3A_813] : memref<50x128xi32, #tpu.memory_space<vmem>> -> memref<1x128xi32, #tpu.memory_space<vmem>>
      %dma_wait3A_815 = tpu.memref_squeeze %dma_wait3A_814 : memref<1x128xi32, #tpu.memory_space<vmem>> -> memref<128xi32, #tpu.memory_space<vmem>>
      %dma_wait3A_816 = arith.constant 0 : i32
      %dma_wait3A_817 = arith.constant 0 : i32
      %dma_wait3A_818 = tpu.memref_slice %arg2[%dma_wait3A_816, %dma_wait3A_817] : memref<100000x128xf32, #tpu.memory_space<hbm>> -> memref<100000x128xf32, #tpu.memory_space<hbm>>
      tpu.wait_indirect_dma semaphore(%arg8 : memref<!tpu.dma_semaphore, #tpu.memory_space<semaphore_mem>>) src(%dma_wait3A_818 : memref<100000x128xf32, #tpu.memory_space<hbm>>) dst(%dma_wait3A_812 : memref<128x128xf32, #tpu.memory_space<vmem>>)
      %dma_start3A_819 = arith.constant 1 : i32
      %dma_start3A_820 = arith.constant 0 : i32
      %dma_start3A_821 = arith.constant 0 : i32
      %dma_start3A_822 = tpu.memref_slice %arg6[%dma_start3A_819, %dma_start3A_820, %dma_start3A_821] : memref<7x128x128xf32, #tpu.memory_space<vmem>> -> memref<1x128x128xf32, #tpu.memory_space<vmem>>
      %dma_start3A_823 = tpu.memref_squeeze %dma_start3A_822 : memref<1x128x128xf32, #tpu.memory_space<vmem>> -> memref<128x128xf32, #tpu.memory_space<vmem>>
      %dma_start3A_824 = arith.constant 0 : i32
      %dma_start3A_825 = tpu.memref_slice %arg4[%add3A_807, %multiple_of3A, %dma_start3A_824] : memref<50x4096x128xf32, #tpu.memory_space<hbm>> -> memref<1x128x128xf32, #tpu.memory_space<hbm>>
      %dma_start3A_826 = tpu.memref_squeeze %dma_start3A_825 : memref<1x128x128xf32, #tpu.memory_space<hbm>> -> memref<128x128xf32, #tpu.memory_space<hbm>>
      %dma_start3A_827 = arith.constant 0 : i32
      %dma_start3A_828 = tpu.memref_slice %arg4[%add3A_807, %multiple_of3A, %dma_start3A_827] : memref<50x4096x128xf32, #tpu.memory_space<hbm>> -> memref<1x128x128xf32, #tpu.memory_space<hbm>>
      %dma_start3A_829 = tpu.memref_squeeze %dma_start3A_828 : memref<1x128x128xf32, #tpu.memory_space<hbm>> -> memref<128x128xf32, #tpu.memory_space<hbm>>
      %dma_start3A_830 = arith.constant 0 : i32
      %dma_start3A_831 = arith.constant 0 : i32
      %dma_start3A_832 = tpu.memref_slice %arg6[%dma_start3A_819, %dma_start3A_830, %dma_start3A_831] : memref<7x128x128xf32, #tpu.memory_space<vmem>> -> memref<1x128x128xf32, #tpu.memory_space<vmem>>
      %dma_start3A_833 = tpu.memref_squeeze %dma_start3A_832 : memref<1x128x128xf32, #tpu.memory_space<vmem>> -> memref<128x128xf32, #tpu.memory_space<vmem>>
      tpu.enqueue_dma source(%dma_start3A_833 : memref<128x128xf32, #tpu.memory_space<vmem>>) target(%dma_start3A_829 : memref<128x128xf32, #tpu.memory_space<hbm>>) target_semaphore(%arg15 : memref<!tpu.dma_semaphore, #tpu.memory_space<semaphore_mem>>)
      %sub3A_834 = arith.constant 2 : i32
      %sub3A_835 = arith.subi %add3A_807, %sub3A_834 : i32
      %dma_wait3A_836 = arith.constant 6 : i32
      %dma_wait3A_837 = arith.constant 0 : i32
      %dma_wait3A_838 = arith.constant 0 : i32
      %dma_wait3A_839 = tpu.memref_slice %arg6[%dma_wait3A_836, %dma_wait3A_837, %dma_wait3A_838] : memref<7x128x128xf32, #tpu.memory_space<vmem>> -> memref<1x128x128xf32, #tpu.memory_space<vmem>>
      %dma_wait3A_840 = tpu.memref_squeeze %dma_wait3A_839 : memref<1x128x128xf32, #tpu.memory_space<vmem>> -> memref<128x128xf32, #tpu.memory_space<vmem>>
      %dma_wait3A_841 = arith.constant 0 : i32
      %dma_wait3A_842 = tpu.memref_slice %arg4[%sub3A_835, %multiple_of3A, %dma_wait3A_841] : memref<50x4096x128xf32, #tpu.memory_space<hbm>> -> memref<1x128x128xf32, #tpu.memory_space<hbm>>
      %dma_wait3A_843 = tpu.memref_squeeze %dma_wait3A_842 : memref<1x128x128xf32, #tpu.memory_space<hbm>> -> memref<128x128xf32, #tpu.memory_space<hbm>>
      %dma_wait3A_844 = arith.constant 0 : i32
      %dma_wait3A_845 = tpu.memref_slice %arg4[%sub3A_835, %multiple_of3A, %dma_wait3A_844] : memref<50x4096x128xf32, #tpu.memory_space<hbm>> -> memref<1x128x128xf32, #tpu.memory_space<hbm>>
      %dma_wait3A_846 = tpu.memref_squeeze %dma_wait3A_845 : memref<1x128x128xf32, #tpu.memory_space<hbm>> -> memref<128x128xf32, #tpu.memory_space<hbm>>
      %dma_wait3A_847 = arith.constant 0 : i32
      %dma_wait3A_848 = arith.constant 0 : i32
      %dma_wait3A_849 = tpu.memref_slice %arg6[%dma_wait3A_836, %dma_wait3A_847, %dma_wait3A_848] : memref<7x128x128xf32, #tpu.memory_space<vmem>> -> memref<1x128x128xf32, #tpu.memory_space<vmem>>
      %dma_wait3A_850 = tpu.memref_squeeze %dma_wait3A_849 : memref<1x128x128xf32, #tpu.memory_space<vmem>> -> memref<128x128xf32, #tpu.memory_space<vmem>>
      tpu.wait_dma2 semaphore(%arg20 : memref<!tpu.dma_semaphore, #tpu.memory_space<semaphore_mem>>) src(%dma_wait3A_850 : memref<128x128xf32, #tpu.memory_space<vmem>>) dst(%dma_wait3A_846 : memref<128x128xf32, #tpu.memory_space<hbm>>)
      %add3A_851 = arith.constant 5 : i32
      %add3A_852 = arith.addi %add3A_807, %add3A_851 : i32
      %dma_start3A_853 = arith.constant 6 : i32
      %dma_start3A_854 = arith.constant 0 : i32
      %dma_start3A_855 = arith.constant 0 : i32
      %dma_start3A_856 = tpu.memref_slice %arg6[%dma_start3A_853, %dma_start3A_854, %dma_start3A_855] : memref<7x128x128xf32, #tpu.memory_space<vmem>> -> memref<1x128x128xf32, #tpu.memory_space<vmem>>
      %dma_start3A_857 = tpu.memref_squeeze %dma_start3A_856 : memref<1x128x128xf32, #tpu.memory_space<vmem>> -> memref<128x128xf32, #tpu.memory_space<vmem>>
      %dma_start3A_858 = arith.constant 0 : i32
      %dma_start3A_859 = tpu.memref_slice %arg5[%add3A_852, %dma_start3A_858] : memref<50x128xi32, #tpu.memory_space<vmem>> -> memref<1x128xi32, #tpu.memory_space<vmem>>
      %dma_start3A_860 = tpu.memref_squeeze %dma_start3A_859 : memref<1x128xi32, #tpu.memory_space<vmem>> -> memref<128xi32, #tpu.memory_space<vmem>>
      %dma_start3A_861 = arith.constant 0 : i32
      %dma_start3A_862 = arith.constant 0 : i32
      %dma_start3A_863 = tpu.memref_slice %arg2[%dma_start3A_861, %dma_start3A_862] : memref<100000x128xf32, #tpu.memory_space<hbm>> -> memref<100000x128xf32, #tpu.memory_space<hbm>>
      tpu.enqueue_indirect_dma source(%dma_start3A_863 : memref<100000x128xf32, #tpu.memory_space<hbm>>) target(%dma_start3A_857 : memref<128x128xf32, #tpu.memory_space<vmem>>) offsets(%dma_start3A_860 : memref<128xi32, #tpu.memory_space<vmem>>) semaphore(%arg13 : memref<!tpu.dma_semaphore, #tpu.memory_space<semaphore_mem>>)
    }
    %scan3A_145 = arith.constant 6 : i32
    %dma_wait3A_146 = arith.constant 44 : i32
    %dma_wait3A_147 = arith.constant 2 : i32
    %dma_wait3A_148 = arith.constant 0 : i32
    %dma_wait3A_149 = arith.constant 0 : i32
    %dma_wait3A_150 = tpu.memref_slice %arg6[%dma_wait3A_147, %dma_wait3A_148, %dma_wait3A_149] : memref<7x128x128xf32, #tpu.memory_space<vmem>> -> memref<1x128x128xf32, #tpu.memory_space<vmem>>
    %dma_wait3A_151 = tpu.memref_squeeze %dma_wait3A_150 : memref<1x128x128xf32, #tpu.memory_space<vmem>> -> memref<128x128xf32, #tpu.memory_space<vmem>>
    %dma_wait3A_152 = arith.constant 0 : i32
    %dma_wait3A_153 = tpu.memref_slice %arg5[%dma_wait3A_146, %dma_wait3A_152] : memref<50x128xi32, #tpu.memory_space<vmem>> -> memref<1x128xi32, #tpu.memory_space<vmem>>
    %dma_wait3A_154 = tpu.memref_squeeze %dma_wait3A_153 : memref<1x128xi32, #tpu.memory_space<vmem>> -> memref<128xi32, #tpu.memory_space<vmem>>
    %dma_wait3A_155 = arith.constant 0 : i32
    %dma_wait3A_156 = arith.constant 0 : i32
    %dma_wait3A_157 = tpu.memref_slice %arg2[%dma_wait3A_155, %dma_wait3A_156] : memref<100000x128xf32, #tpu.memory_space<hbm>> -> memref<100000x128xf32, #tpu.memory_space<hbm>>
    tpu.wait_indirect_dma semaphore(%arg9 : memref<!tpu.dma_semaphore, #tpu.memory_space<semaphore_mem>>) src(%dma_wait3A_157 : memref<100000x128xf32, #tpu.memory_space<hbm>>) dst(%dma_wait3A_151 : memref<128x128xf32, #tpu.memory_space<vmem>>)
    %dma_start3A_158 = arith.constant 2 : i32
    %dma_start3A_159 = arith.constant 44 : i32
    %dma_start3A_160 = arith.constant 0 : i32
    %dma_start3A_161 = arith.constant 0 : i32
    %dma_start3A_162 = tpu.memref_slice %arg6[%dma_start3A_158, %dma_start3A_160, %dma_start3A_161] : memref<7x128x128xf32, #tpu.memory_space<vmem>> -> memref<1x128x128xf32, #tpu.memory_space<vmem>>
    %dma_start3A_163 = tpu.memref_squeeze %dma_start3A_162 : memref<1x128x128xf32, #tpu.memory_space<vmem>> -> memref<128x128xf32, #tpu.memory_space<vmem>>
    %dma_start3A_164 = arith.constant 0 : i32
    %dma_start3A_165 = tpu.memref_slice %arg4[%dma_start3A_159, %multiple_of3A, %dma_start3A_164] : memref<50x4096x128xf32, #tpu.memory_space<hbm>> -> memref<1x128x128xf32, #tpu.memory_space<hbm>>
    %dma_start3A_166 = tpu.memref_squeeze %dma_start3A_165 : memref<1x128x128xf32, #tpu.memory_space<hbm>> -> memref<128x128xf32, #tpu.memory_space<hbm>>
    %dma_start3A_167 = arith.constant 0 : i32
    %dma_start3A_168 = tpu.memref_slice %arg4[%dma_start3A_159, %multiple_of3A, %dma_start3A_167] : memref<50x4096x128xf32, #tpu.memory_space<hbm>> -> memref<1x128x128xf32, #tpu.memory_space<hbm>>
    %dma_start3A_169 = tpu.memref_squeeze %dma_start3A_168 : memref<1x128x128xf32, #tpu.memory_space<hbm>> -> memref<128x128xf32, #tpu.memory_space<hbm>>
    %dma_start3A_170 = arith.constant 0 : i32
    %dma_start3A_171 = arith.constant 0 : i32
    %dma_start3A_172 = tpu.memref_slice %arg6[%dma_start3A_158, %dma_start3A_170, %dma_start3A_171] : memref<7x128x128xf32, #tpu.memory_space<vmem>> -> memref<1x128x128xf32, #tpu.memory_space<vmem>>
    %dma_start3A_173 = tpu.memref_squeeze %dma_start3A_172 : memref<1x128x128xf32, #tpu.memory_space<vmem>> -> memref<128x128xf32, #tpu.memory_space<vmem>>
    tpu.enqueue_dma source(%dma_start3A_173 : memref<128x128xf32, #tpu.memory_space<vmem>>) target(%dma_start3A_169 : memref<128x128xf32, #tpu.memory_space<hbm>>) target_semaphore(%arg16 : memref<!tpu.dma_semaphore, #tpu.memory_space<semaphore_mem>>)
    %dma_wait3A_174 = arith.constant 0 : i32
    %dma_wait3A_175 = arith.constant 42 : i32
    %dma_wait3A_176 = arith.constant 0 : i32
    %dma_wait3A_177 = arith.constant 0 : i32
    %dma_wait3A_178 = tpu.memref_slice %arg6[%dma_wait3A_174, %dma_wait3A_176, %dma_wait3A_177] : memref<7x128x128xf32, #tpu.memory_space<vmem>> -> memref<1x128x128xf32, #tpu.memory_space<vmem>>
    %dma_wait3A_179 = tpu.memref_squeeze %dma_wait3A_178 : memref<1x128x128xf32, #tpu.memory_space<vmem>> -> memref<128x128xf32, #tpu.memory_space<vmem>>
    %dma_wait3A_180 = arith.constant 0 : i32
    %dma_wait3A_181 = tpu.memref_slice %arg4[%dma_wait3A_175, %multiple_of3A, %dma_wait3A_180] : memref<50x4096x128xf32, #tpu.memory_space<hbm>> -> memref<1x128x128xf32, #tpu.memory_space<hbm>>
    %dma_wait3A_182 = tpu.memref_squeeze %dma_wait3A_181 : memref<1x128x128xf32, #tpu.memory_space<hbm>> -> memref<128x128xf32, #tpu.memory_space<hbm>>
    %dma_wait3A_183 = arith.constant 0 : i32
    %dma_wait3A_184 = tpu.memref_slice %arg4[%dma_wait3A_175, %multiple_of3A, %dma_wait3A_183] : memref<50x4096x128xf32, #tpu.memory_space<hbm>> -> memref<1x128x128xf32, #tpu.memory_space<hbm>>
    %dma_wait3A_185 = tpu.memref_squeeze %dma_wait3A_184 : memref<1x128x128xf32, #tpu.memory_space<hbm>> -> memref<128x128xf32, #tpu.memory_space<hbm>>
    %dma_wait3A_186 = arith.constant 0 : i32
    %dma_wait3A_187 = arith.constant 0 : i32
    %dma_wait3A_188 = tpu.memref_slice %arg6[%dma_wait3A_174, %dma_wait3A_186, %dma_wait3A_187] : memref<7x128x128xf32, #tpu.memory_space<vmem>> -> memref<1x128x128xf32, #tpu.memory_space<vmem>>
    %dma_wait3A_189 = tpu.memref_squeeze %dma_wait3A_188 : memref<1x128x128xf32, #tpu.memory_space<vmem>> -> memref<128x128xf32, #tpu.memory_space<vmem>>
    tpu.wait_dma2 semaphore(%arg14 : memref<!tpu.dma_semaphore, #tpu.memory_space<semaphore_mem>>) src(%dma_wait3A_189 : memref<128x128xf32, #tpu.memory_space<vmem>>) dst(%dma_wait3A_185 : memref<128x128xf32, #tpu.memory_space<hbm>>)
    %dma_start3A_190 = arith.constant 49 : i32
    %dma_start3A_191 = arith.constant 0 : i32
    %dma_start3A_192 = arith.constant 0 : i32
    %dma_start3A_193 = arith.constant 0 : i32
    %dma_start3A_194 = tpu.memref_slice %arg6[%dma_start3A_191, %dma_start3A_192, %dma_start3A_193] : memref<7x128x128xf32, #tpu.memory_space<vmem>> -> memref<1x128x128xf32, #tpu.memory_space<vmem>>
    %dma_start3A_195 = tpu.memref_squeeze %dma_start3A_194 : memref<1x128x128xf32, #tpu.memory_space<vmem>> -> memref<128x128xf32, #tpu.memory_space<vmem>>
    %dma_start3A_196 = arith.constant 0 : i32
    %dma_start3A_197 = tpu.memref_slice %arg5[%dma_start3A_190, %dma_start3A_196] : memref<50x128xi32, #tpu.memory_space<vmem>> -> memref<1x128xi32, #tpu.memory_space<vmem>>
    %dma_start3A_198 = tpu.memref_squeeze %dma_start3A_197 : memref<1x128xi32, #tpu.memory_space<vmem>> -> memref<128xi32, #tpu.memory_space<vmem>>
    %dma_start3A_199 = arith.constant 0 : i32
    %dma_start3A_200 = arith.constant 0 : i32
    %dma_start3A_201 = tpu.memref_slice %arg2[%dma_start3A_199, %dma_start3A_200] : memref<100000x128xf32, #tpu.memory_space<hbm>> -> memref<100000x128xf32, #tpu.memory_space<hbm>>
    tpu.enqueue_indirect_dma source(%dma_start3A_201 : memref<100000x128xf32, #tpu.memory_space<hbm>>) target(%dma_start3A_195 : memref<128x128xf32, #tpu.memory_space<vmem>>) offsets(%dma_start3A_198 : memref<128xi32, #tpu.memory_space<vmem>>) semaphore(%arg7 : memref<!tpu.dma_semaphore, #tpu.memory_space<semaphore_mem>>)
    %dma_wait3A_202 = arith.constant 45 : i32
    %dma_wait3A_203 = arith.constant 3 : i32
    %dma_wait3A_204 = arith.constant 0 : i32
    %dma_wait3A_205 = arith.constant 0 : i32
    %dma_wait3A_206 = tpu.memref_slice %arg6[%dma_wait3A_203, %dma_wait3A_204, %dma_wait3A_205] : memref<7x128x128xf32, #tpu.memory_space<vmem>> -> memref<1x128x128xf32, #tpu.memory_space<vmem>>
    %dma_wait3A_207 = tpu.memref_squeeze %dma_wait3A_206 : memref<1x128x128xf32, #tpu.memory_space<vmem>> -> memref<128x128xf32, #tpu.memory_space<vmem>>
    %dma_wait3A_208 = arith.constant 0 : i32
    %dma_wait3A_209 = tpu.memref_slice %arg5[%dma_wait3A_202, %dma_wait3A_208] : memref<50x128xi32, #tpu.memory_space<vmem>> -> memref<1x128xi32, #tpu.memory_space<vmem>>
    %dma_wait3A_210 = tpu.memref_squeeze %dma_wait3A_209 : memref<1x128xi32, #tpu.memory_space<vmem>> -> memref<128xi32, #tpu.memory_space<vmem>>
    %dma_wait3A_211 = arith.constant 0 : i32
    %dma_wait3A_212 = arith.constant 0 : i32
    %dma_wait3A_213 = tpu.memref_slice %arg2[%dma_wait3A_211, %dma_wait3A_212] : memref<100000x128xf32, #tpu.memory_space<hbm>> -> memref<100000x128xf32, #tpu.memory_space<hbm>>
    tpu.wait_indirect_dma semaphore(%arg10 : memref<!tpu.dma_semaphore, #tpu.memory_space<semaphore_mem>>) src(%dma_wait3A_213 : memref<100000x128xf32, #tpu.memory_space<hbm>>) dst(%dma_wait3A_207 : memref<128x128xf32, #tpu.memory_space<vmem>>)
    %dma_start3A_214 = arith.constant 3 : i32
    %dma_start3A_215 = arith.constant 45 : i32
    %dma_start3A_216 = arith.constant 0 : i32
    %dma_start3A_217 = arith.constant 0 : i32
    %dma_start3A_218 = tpu.memref_slice %arg6[%dma_start3A_214, %dma_start3A_216, %dma_start3A_217] : memref<7x128x128xf32, #tpu.memory_space<vmem>> -> memref<1x128x128xf32, #tpu.memory_space<vmem>>
    %dma_start3A_219 = tpu.memref_squeeze %dma_start3A_218 : memref<1x128x128xf32, #tpu.memory_space<vmem>> -> memref<128x128xf32, #tpu.memory_space<vmem>>
    %dma_start3A_220 = arith.constant 0 : i32
    %dma_start3A_221 = tpu.memref_slice %arg4[%dma_start3A_215, %multiple_of3A, %dma_start3A_220] : memref<50x4096x128xf32, #tpu.memory_space<hbm>> -> memref<1x128x128xf32, #tpu.memory_space<hbm>>
    %dma_start3A_222 = tpu.memref_squeeze %dma_start3A_221 : memref<1x128x128xf32, #tpu.memory_space<hbm>> -> memref<128x128xf32, #tpu.memory_space<hbm>>
    %dma_start3A_223 = arith.constant 0 : i32
    %dma_start3A_224 = tpu.memref_slice %arg4[%dma_start3A_215, %multiple_of3A, %dma_start3A_223] : memref<50x4096x128xf32, #tpu.memory_space<hbm>> -> memref<1x128x128xf32, #tpu.memory_space<hbm>>
    %dma_start3A_225 = tpu.memref_squeeze %dma_start3A_224 : memref<1x128x128xf32, #tpu.memory_space<hbm>> -> memref<128x128xf32, #tpu.memory_space<hbm>>
    %dma_start3A_226 = arith.constant 0 : i32
    %dma_start3A_227 = arith.constant 0 : i32
    %dma_start3A_228 = tpu.memref_slice %arg6[%dma_start3A_214, %dma_start3A_226, %dma_start3A_227] : memref<7x128x128xf32, #tpu.memory_space<vmem>> -> memref<1x128x128xf32, #tpu.memory_space<vmem>>
    %dma_start3A_229 = tpu.memref_squeeze %dma_start3A_228 : memref<1x128x128xf32, #tpu.memory_space<vmem>> -> memref<128x128xf32, #tpu.memory_space<vmem>>
    tpu.enqueue_dma source(%dma_start3A_229 : memref<128x128xf32, #tpu.memory_space<vmem>>) target(%dma_start3A_225 : memref<128x128xf32, #tpu.memory_space<hbm>>) target_semaphore(%arg17 : memref<!tpu.dma_semaphore, #tpu.memory_space<semaphore_mem>>)
    %dma_wait3A_230 = arith.constant 1 : i32
    %dma_wait3A_231 = arith.constant 43 : i32
    %dma_wait3A_232 = arith.constant 0 : i32
    %dma_wait3A_233 = arith.constant 0 : i32
    %dma_wait3A_234 = tpu.memref_slice %arg6[%dma_wait3A_230, %dma_wait3A_232, %dma_wait3A_233] : memref<7x128x128xf32, #tpu.memory_space<vmem>> -> memref<1x128x128xf32, #tpu.memory_space<vmem>>
    %dma_wait3A_235 = tpu.memref_squeeze %dma_wait3A_234 : memref<1x128x128xf32, #tpu.memory_space<vmem>> -> memref<128x128xf32, #tpu.memory_space<vmem>>
    %dma_wait3A_236 = arith.constant 0 : i32
    %dma_wait3A_237 = tpu.memref_slice %arg4[%dma_wait3A_231, %multiple_of3A, %dma_wait3A_236] : memref<50x4096x128xf32, #tpu.memory_space<hbm>> -> memref<1x128x128xf32, #tpu.memory_space<hbm>>
    %dma_wait3A_238 = tpu.memref_squeeze %dma_wait3A_237 : memref<1x128x128xf32, #tpu.memory_space<hbm>> -> memref<128x128xf32, #tpu.memory_space<hbm>>
    %dma_wait3A_239 = arith.constant 0 : i32
    %dma_wait3A_240 = tpu.memref_slice %arg4[%dma_wait3A_231, %multiple_of3A, %dma_wait3A_239] : memref<50x4096x128xf32, #tpu.memory_space<hbm>> -> memref<1x128x128xf32, #tpu.memory_space<hbm>>
    %dma_wait3A_241 = tpu.memref_squeeze %dma_wait3A_240 : memref<1x128x128xf32, #tpu.memory_space<hbm>> -> memref<128x128xf32, #tpu.memory_space<hbm>>
    %dma_wait3A_242 = arith.constant 0 : i32
    %dma_wait3A_243 = arith.constant 0 : i32
    %dma_wait3A_244 = tpu.memref_slice %arg6[%dma_wait3A_230, %dma_wait3A_242, %dma_wait3A_243] : memref<7x128x128xf32, #tpu.memory_space<vmem>> -> memref<1x128x128xf32, #tpu.memory_space<vmem>>
    %dma_wait3A_245 = tpu.memref_squeeze %dma_wait3A_244 : memref<1x128x128xf32, #tpu.memory_space<vmem>> -> memref<128x128xf32, #tpu.memory_space<vmem>>
    tpu.wait_dma2 semaphore(%arg15 : memref<!tpu.dma_semaphore, #tpu.memory_space<semaphore_mem>>) src(%dma_wait3A_245 : memref<128x128xf32, #tpu.memory_space<vmem>>) dst(%dma_wait3A_241 : memref<128x128xf32, #tpu.memory_space<hbm>>)
    %dma_wait3A_246 = arith.constant 46 : i32
    %dma_wait3A_247 = arith.constant 4 : i32
    %dma_wait3A_248 = arith.constant 0 : i32
    %dma_wait3A_249 = arith.constant 0 : i32
    %dma_wait3A_250 = tpu.memref_slice %arg6[%dma_wait3A_247, %dma_wait3A_248, %dma_wait3A_249] : memref<7x128x128xf32, #tpu.memory_space<vmem>> -> memref<1x128x128xf32, #tpu.memory_space<vmem>>
    %dma_wait3A_251 = tpu.memref_squeeze %dma_wait3A_250 : memref<1x128x128xf32, #tpu.memory_space<vmem>> -> memref<128x128xf32, #tpu.memory_space<vmem>>
    %dma_wait3A_252 = arith.constant 0 : i32
    %dma_wait3A_253 = tpu.memref_slice %arg5[%dma_wait3A_246, %dma_wait3A_252] : memref<50x128xi32, #tpu.memory_space<vmem>> -> memref<1x128xi32, #tpu.memory_space<vmem>>
    %dma_wait3A_254 = tpu.memref_squeeze %dma_wait3A_253 : memref<1x128xi32, #tpu.memory_space<vmem>> -> memref<128xi32, #tpu.memory_space<vmem>>
    %dma_wait3A_255 = arith.constant 0 : i32
    %dma_wait3A_256 = arith.constant 0 : i32
    %dma_wait3A_257 = tpu.memref_slice %arg2[%dma_wait3A_255, %dma_wait3A_256] : memref<100000x128xf32, #tpu.memory_space<hbm>> -> memref<100000x128xf32, #tpu.memory_space<hbm>>
    tpu.wait_indirect_dma semaphore(%arg11 : memref<!tpu.dma_semaphore, #tpu.memory_space<semaphore_mem>>) src(%dma_wait3A_257 : memref<100000x128xf32, #tpu.memory_space<hbm>>) dst(%dma_wait3A_251 : memref<128x128xf32, #tpu.memory_space<vmem>>)
    %dma_start3A_258 = arith.constant 4 : i32
    %dma_start3A_259 = arith.constant 46 : i32
    %dma_start3A_260 = arith.constant 0 : i32
    %dma_start3A_261 = arith.constant 0 : i32
    %dma_start3A_262 = tpu.memref_slice %arg6[%dma_start3A_258, %dma_start3A_260, %dma_start3A_261] : memref<7x128x128xf32, #tpu.memory_space<vmem>> -> memref<1x128x128xf32, #tpu.memory_space<vmem>>
    %dma_start3A_263 = tpu.memref_squeeze %dma_start3A_262 : memref<1x128x128xf32, #tpu.memory_space<vmem>> -> memref<128x128xf32, #tpu.memory_space<vmem>>
    %dma_start3A_264 = arith.constant 0 : i32
    %dma_start3A_265 = tpu.memref_slice %arg4[%dma_start3A_259, %multiple_of3A, %dma_start3A_264] : memref<50x4096x128xf32, #tpu.memory_space<hbm>> -> memref<1x128x128xf32, #tpu.memory_space<hbm>>
    %dma_start3A_266 = tpu.memref_squeeze %dma_start3A_265 : memref<1x128x128xf32, #tpu.memory_space<hbm>> -> memref<128x128xf32, #tpu.memory_space<hbm>>
    %dma_start3A_267 = arith.constant 0 : i32
    %dma_start3A_268 = tpu.memref_slice %arg4[%dma_start3A_259, %multiple_of3A, %dma_start3A_267] : memref<50x4096x128xf32, #tpu.memory_space<hbm>> -> memref<1x128x128xf32, #tpu.memory_space<hbm>>
    %dma_start3A_269 = tpu.memref_squeeze %dma_start3A_268 : memref<1x128x128xf32, #tpu.memory_space<hbm>> -> memref<128x128xf32, #tpu.memory_space<hbm>>
    %dma_start3A_270 = arith.constant 0 : i32
    %dma_start3A_271 = arith.constant 0 : i32
    %dma_start3A_272 = tpu.memref_slice %arg6[%dma_start3A_258, %dma_start3A_270, %dma_start3A_271] : memref<7x128x128xf32, #tpu.memory_space<vmem>> -> memref<1x128x128xf32, #tpu.memory_space<vmem>>
    %dma_start3A_273 = tpu.memref_squeeze %dma_start3A_272 : memref<1x128x128xf32, #tpu.memory_space<vmem>> -> memref<128x128xf32, #tpu.memory_space<vmem>>
    tpu.enqueue_dma source(%dma_start3A_273 : memref<128x128xf32, #tpu.memory_space<vmem>>) target(%dma_start3A_269 : memref<128x128xf32, #tpu.memory_space<hbm>>) target_semaphore(%arg18 : memref<!tpu.dma_semaphore, #tpu.memory_space<semaphore_mem>>)
    %dma_wait3A_274 = arith.constant 2 : i32
    %dma_wait3A_275 = arith.constant 44 : i32
    %dma_wait3A_276 = arith.constant 0 : i32
    %dma_wait3A_277 = arith.constant 0 : i32
    %dma_wait3A_278 = tpu.memref_slice %arg6[%dma_wait3A_274, %dma_wait3A_276, %dma_wait3A_277] : memref<7x128x128xf32, #tpu.memory_space<vmem>> -> memref<1x128x128xf32, #tpu.memory_space<vmem>>
    %dma_wait3A_279 = tpu.memref_squeeze %dma_wait3A_278 : memref<1x128x128xf32, #tpu.memory_space<vmem>> -> memref<128x128xf32, #tpu.memory_space<vmem>>
    %dma_wait3A_280 = arith.constant 0 : i32
    %dma_wait3A_281 = tpu.memref_slice %arg4[%dma_wait3A_275, %multiple_of3A, %dma_wait3A_280] : memref<50x4096x128xf32, #tpu.memory_space<hbm>> -> memref<1x128x128xf32, #tpu.memory_space<hbm>>
    %dma_wait3A_282 = tpu.memref_squeeze %dma_wait3A_281 : memref<1x128x128xf32, #tpu.memory_space<hbm>> -> memref<128x128xf32, #tpu.memory_space<hbm>>
    %dma_wait3A_283 = arith.constant 0 : i32
    %dma_wait3A_284 = tpu.memref_slice %arg4[%dma_wait3A_275, %multiple_of3A, %dma_wait3A_283] : memref<50x4096x128xf32, #tpu.memory_space<hbm>> -> memref<1x128x128xf32, #tpu.memory_space<hbm>>
    %dma_wait3A_285 = tpu.memref_squeeze %dma_wait3A_284 : memref<1x128x128xf32, #tpu.memory_space<hbm>> -> memref<128x128xf32, #tpu.memory_space<hbm>>
    %dma_wait3A_286 = arith.constant 0 : i32
    %dma_wait3A_287 = arith.constant 0 : i32
    %dma_wait3A_288 = tpu.memref_slice %arg6[%dma_wait3A_274, %dma_wait3A_286, %dma_wait3A_287] : memref<7x128x128xf32, #tpu.memory_space<vmem>> -> memref<1x128x128xf32, #tpu.memory_space<vmem>>
    %dma_wait3A_289 = tpu.memref_squeeze %dma_wait3A_288 : memref<1x128x128xf32, #tpu.memory_space<vmem>> -> memref<128x128xf32, #tpu.memory_space<vmem>>
    tpu.wait_dma2 semaphore(%arg16 : memref<!tpu.dma_semaphore, #tpu.memory_space<semaphore_mem>>) src(%dma_wait3A_289 : memref<128x128xf32, #tpu.memory_space<vmem>>) dst(%dma_wait3A_285 : memref<128x128xf32, #tpu.memory_space<hbm>>)
    %dma_wait3A_290 = arith.constant 47 : i32
    %dma_wait3A_291 = arith.constant 5 : i32
    %dma_wait3A_292 = arith.constant 0 : i32
    %dma_wait3A_293 = arith.constant 0 : i32
    %dma_wait3A_294 = tpu.memref_slice %arg6[%dma_wait3A_291, %dma_wait3A_292, %dma_wait3A_293] : memref<7x128x128xf32, #tpu.memory_space<vmem>> -> memref<1x128x128xf32, #tpu.memory_space<vmem>>
    %dma_wait3A_295 = tpu.memref_squeeze %dma_wait3A_294 : memref<1x128x128xf32, #tpu.memory_space<vmem>> -> memref<128x128xf32, #tpu.memory_space<vmem>>
    %dma_wait3A_296 = arith.constant 0 : i32
    %dma_wait3A_297 = tpu.memref_slice %arg5[%dma_wait3A_290, %dma_wait3A_296] : memref<50x128xi32, #tpu.memory_space<vmem>> -> memref<1x128xi32, #tpu.memory_space<vmem>>
    %dma_wait3A_298 = tpu.memref_squeeze %dma_wait3A_297 : memref<1x128xi32, #tpu.memory_space<vmem>> -> memref<128xi32, #tpu.memory_space<vmem>>
    %dma_wait3A_299 = arith.constant 0 : i32
    %dma_wait3A_300 = arith.constant 0 : i32
    %dma_wait3A_301 = tpu.memref_slice %arg2[%dma_wait3A_299, %dma_wait3A_300] : memref<100000x128xf32, #tpu.memory_space<hbm>> -> memref<100000x128xf32, #tpu.memory_space<hbm>>
    tpu.wait_indirect_dma semaphore(%arg12 : memref<!tpu.dma_semaphore, #tpu.memory_space<semaphore_mem>>) src(%dma_wait3A_301 : memref<100000x128xf32, #tpu.memory_space<hbm>>) dst(%dma_wait3A_295 : memref<128x128xf32, #tpu.memory_space<vmem>>)
    %dma_start3A_302 = arith.constant 5 : i32
    %dma_start3A_303 = arith.constant 47 : i32
    %dma_start3A_304 = arith.constant 0 : i32
    %dma_start3A_305 = arith.constant 0 : i32
    %dma_start3A_306 = tpu.memref_slice %arg6[%dma_start3A_302, %dma_start3A_304, %dma_start3A_305] : memref<7x128x128xf32, #tpu.memory_space<vmem>> -> memref<1x128x128xf32, #tpu.memory_space<vmem>>
    %dma_start3A_307 = tpu.memref_squeeze %dma_start3A_306 : memref<1x128x128xf32, #tpu.memory_space<vmem>> -> memref<128x128xf32, #tpu.memory_space<vmem>>
    %dma_start3A_308 = arith.constant 0 : i32
    %dma_start3A_309 = tpu.memref_slice %arg4[%dma_start3A_303, %multiple_of3A, %dma_start3A_308] : memref<50x4096x128xf32, #tpu.memory_space<hbm>> -> memref<1x128x128xf32, #tpu.memory_space<hbm>>
    %dma_start3A_310 = tpu.memref_squeeze %dma_start3A_309 : memref<1x128x128xf32, #tpu.memory_space<hbm>> -> memref<128x128xf32, #tpu.memory_space<hbm>>
    %dma_start3A_311 = arith.constant 0 : i32
    %dma_start3A_312 = tpu.memref_slice %arg4[%dma_start3A_303, %multiple_of3A, %dma_start3A_311] : memref<50x4096x128xf32, #tpu.memory_space<hbm>> -> memref<1x128x128xf32, #tpu.memory_space<hbm>>
    %dma_start3A_313 = tpu.memref_squeeze %dma_start3A_312 : memref<1x128x128xf32, #tpu.memory_space<hbm>> -> memref<128x128xf32, #tpu.memory_space<hbm>>
    %dma_start3A_314 = arith.constant 0 : i32
    %dma_start3A_315 = arith.constant 0 : i32
    %dma_start3A_316 = tpu.memref_slice %arg6[%dma_start3A_302, %dma_start3A_314, %dma_start3A_315] : memref<7x128x128xf32, #tpu.memory_space<vmem>> -> memref<1x128x128xf32, #tpu.memory_space<vmem>>
    %dma_start3A_317 = tpu.memref_squeeze %dma_start3A_316 : memref<1x128x128xf32, #tpu.memory_space<vmem>> -> memref<128x128xf32, #tpu.memory_space<vmem>>
    tpu.enqueue_dma source(%dma_start3A_317 : memref<128x128xf32, #tpu.memory_space<vmem>>) target(%dma_start3A_313 : memref<128x128xf32, #tpu.memory_space<hbm>>) target_semaphore(%arg19 : memref<!tpu.dma_semaphore, #tpu.memory_space<semaphore_mem>>)
    %dma_wait3A_318 = arith.constant 3 : i32
    %dma_wait3A_319 = arith.constant 45 : i32
    %dma_wait3A_320 = arith.constant 0 : i32
    %dma_wait3A_321 = arith.constant 0 : i32
    %dma_wait3A_322 = tpu.memref_slice %arg6[%dma_wait3A_318, %dma_wait3A_320, %dma_wait3A_321] : memref<7x128x128xf32, #tpu.memory_space<vmem>> -> memref<1x128x128xf32, #tpu.memory_space<vmem>>
    %dma_wait3A_323 = tpu.memref_squeeze %dma_wait3A_322 : memref<1x128x128xf32, #tpu.memory_space<vmem>> -> memref<128x128xf32, #tpu.memory_space<vmem>>
    %dma_wait3A_324 = arith.constant 0 : i32
    %dma_wait3A_325 = tpu.memref_slice %arg4[%dma_wait3A_319, %multiple_of3A, %dma_wait3A_324] : memref<50x4096x128xf32, #tpu.memory_space<hbm>> -> memref<1x128x128xf32, #tpu.memory_space<hbm>>
    %dma_wait3A_326 = tpu.memref_squeeze %dma_wait3A_325 : memref<1x128x128xf32, #tpu.memory_space<hbm>> -> memref<128x128xf32, #tpu.memory_space<hbm>>
    %dma_wait3A_327 = arith.constant 0 : i32
    %dma_wait3A_328 = tpu.memref_slice %arg4[%dma_wait3A_319, %multiple_of3A, %dma_wait3A_327] : memref<50x4096x128xf32, #tpu.memory_space<hbm>> -> memref<1x128x128xf32, #tpu.memory_space<hbm>>
    %dma_wait3A_329 = tpu.memref_squeeze %dma_wait3A_328 : memref<1x128x128xf32, #tpu.memory_space<hbm>> -> memref<128x128xf32, #tpu.memory_space<hbm>>
    %dma_wait3A_330 = arith.constant 0 : i32
    %dma_wait3A_331 = arith.constant 0 : i32
    %dma_wait3A_332 = tpu.memref_slice %arg6[%dma_wait3A_318, %dma_wait3A_330, %dma_wait3A_331] : memref<7x128x128xf32, #tpu.memory_space<vmem>> -> memref<1x128x128xf32, #tpu.memory_space<vmem>>
    %dma_wait3A_333 = tpu.memref_squeeze %dma_wait3A_332 : memref<1x128x128xf32, #tpu.memory_space<vmem>> -> memref<128x128xf32, #tpu.memory_space<vmem>>
    tpu.wait_dma2 semaphore(%arg17 : memref<!tpu.dma_semaphore, #tpu.memory_space<semaphore_mem>>) src(%dma_wait3A_333 : memref<128x128xf32, #tpu.memory_space<vmem>>) dst(%dma_wait3A_329 : memref<128x128xf32, #tpu.memory_space<hbm>>)
    %dma_wait3A_334 = arith.constant 48 : i32
    %dma_wait3A_335 = arith.constant 6 : i32
    %dma_wait3A_336 = arith.constant 0 : i32
    %dma_wait3A_337 = arith.constant 0 : i32
    %dma_wait3A_338 = tpu.memref_slice %arg6[%dma_wait3A_335, %dma_wait3A_336, %dma_wait3A_337] : memref<7x128x128xf32, #tpu.memory_space<vmem>> -> memref<1x128x128xf32, #tpu.memory_space<vmem>>
    %dma_wait3A_339 = tpu.memref_squeeze %dma_wait3A_338 : memref<1x128x128xf32, #tpu.memory_space<vmem>> -> memref<128x128xf32, #tpu.memory_space<vmem>>
    %dma_wait3A_340 = arith.constant 0 : i32
    %dma_wait3A_341 = tpu.memref_slice %arg5[%dma_wait3A_334, %dma_wait3A_340] : memref<50x128xi32, #tpu.memory_space<vmem>> -> memref<1x128xi32, #tpu.memory_space<vmem>>
    %dma_wait3A_342 = tpu.memref_squeeze %dma_wait3A_341 : memref<1x128xi32, #tpu.memory_space<vmem>> -> memref<128xi32, #tpu.memory_space<vmem>>
    %dma_wait3A_343 = arith.constant 0 : i32
    %dma_wait3A_344 = arith.constant 0 : i32
    %dma_wait3A_345 = tpu.memref_slice %arg2[%dma_wait3A_343, %dma_wait3A_344] : memref<100000x128xf32, #tpu.memory_space<hbm>> -> memref<100000x128xf32, #tpu.memory_space<hbm>>
    tpu.wait_indirect_dma semaphore(%arg13 : memref<!tpu.dma_semaphore, #tpu.memory_space<semaphore_mem>>) src(%dma_wait3A_345 : memref<100000x128xf32, #tpu.memory_space<hbm>>) dst(%dma_wait3A_339 : memref<128x128xf32, #tpu.memory_space<vmem>>)
    %dma_start3A_346 = arith.constant 6 : i32
    %dma_start3A_347 = arith.constant 48 : i32
    %dma_start3A_348 = arith.constant 0 : i32
    %dma_start3A_349 = arith.constant 0 : i32
    %dma_start3A_350 = tpu.memref_slice %arg6[%dma_start3A_346, %dma_start3A_348, %dma_start3A_349] : memref<7x128x128xf32, #tpu.memory_space<vmem>> -> memref<1x128x128xf32, #tpu.memory_space<vmem>>
    %dma_start3A_351 = tpu.memref_squeeze %dma_start3A_350 : memref<1x128x128xf32, #tpu.memory_space<vmem>> -> memref<128x128xf32, #tpu.memory_space<vmem>>
    %dma_start3A_352 = arith.constant 0 : i32
    %dma_start3A_353 = tpu.memref_slice %arg4[%dma_start3A_347, %multiple_of3A, %dma_start3A_352] : memref<50x4096x128xf32, #tpu.memory_space<hbm>> -> memref<1x128x128xf32, #tpu.memory_space<hbm>>
    %dma_start3A_354 = tpu.memref_squeeze %dma_start3A_353 : memref<1x128x128xf32, #tpu.memory_space<hbm>> -> memref<128x128xf32, #tpu.memory_space<hbm>>
    %dma_start3A_355 = arith.constant 0 : i32
    %dma_start3A_356 = tpu.memref_slice %arg4[%dma_start3A_347, %multiple_of3A, %dma_start3A_355] : memref<50x4096x128xf32, #tpu.memory_space<hbm>> -> memref<1x128x128xf32, #tpu.memory_space<hbm>>
    %dma_start3A_357 = tpu.memref_squeeze %dma_start3A_356 : memref<1x128x128xf32, #tpu.memory_space<hbm>> -> memref<128x128xf32, #tpu.memory_space<hbm>>
    %dma_start3A_358 = arith.constant 0 : i32
    %dma_start3A_359 = arith.constant 0 : i32
    %dma_start3A_360 = tpu.memref_slice %arg6[%dma_start3A_346, %dma_start3A_358, %dma_start3A_359] : memref<7x128x128xf32, #tpu.memory_space<vmem>> -> memref<1x128x128xf32, #tpu.memory_space<vmem>>
    %dma_start3A_361 = tpu.memref_squeeze %dma_start3A_360 : memref<1x128x128xf32, #tpu.memory_space<vmem>> -> memref<128x128xf32, #tpu.memory_space<vmem>>
    tpu.enqueue_dma source(%dma_start3A_361 : memref<128x128xf32, #tpu.memory_space<vmem>>) target(%dma_start3A_357 : memref<128x128xf32, #tpu.memory_space<hbm>>) target_semaphore(%arg20 : memref<!tpu.dma_semaphore, #tpu.memory_space<semaphore_mem>>)
    %dma_wait3A_362 = arith.constant 4 : i32
    %dma_wait3A_363 = arith.constant 46 : i32
    %dma_wait3A_364 = arith.constant 0 : i32
    %dma_wait3A_365 = arith.constant 0 : i32
    %dma_wait3A_366 = tpu.memref_slice %arg6[%dma_wait3A_362, %dma_wait3A_364, %dma_wait3A_365] : memref<7x128x128xf32, #tpu.memory_space<vmem>> -> memref<1x128x128xf32, #tpu.memory_space<vmem>>
    %dma_wait3A_367 = tpu.memref_squeeze %dma_wait3A_366 : memref<1x128x128xf32, #tpu.memory_space<vmem>> -> memref<128x128xf32, #tpu.memory_space<vmem>>
    %dma_wait3A_368 = arith.constant 0 : i32
    %dma_wait3A_369 = tpu.memref_slice %arg4[%dma_wait3A_363, %multiple_of3A, %dma_wait3A_368] : memref<50x4096x128xf32, #tpu.memory_space<hbm>> -> memref<1x128x128xf32, #tpu.memory_space<hbm>>
    %dma_wait3A_370 = tpu.memref_squeeze %dma_wait3A_369 : memref<1x128x128xf32, #tpu.memory_space<hbm>> -> memref<128x128xf32, #tpu.memory_space<hbm>>
    %dma_wait3A_371 = arith.constant 0 : i32
    %dma_wait3A_372 = tpu.memref_slice %arg4[%dma_wait3A_363, %multiple_of3A, %dma_wait3A_371] : memref<50x4096x128xf32, #tpu.memory_space<hbm>> -> memref<1x128x128xf32, #tpu.memory_space<hbm>>
    %dma_wait3A_373 = tpu.memref_squeeze %dma_wait3A_372 : memref<1x128x128xf32, #tpu.memory_space<hbm>> -> memref<128x128xf32, #tpu.memory_space<hbm>>
    %dma_wait3A_374 = arith.constant 0 : i32
    %dma_wait3A_375 = arith.constant 0 : i32
    %dma_wait3A_376 = tpu.memref_slice %arg6[%dma_wait3A_362, %dma_wait3A_374, %dma_wait3A_375] : memref<7x128x128xf32, #tpu.memory_space<vmem>> -> memref<1x128x128xf32, #tpu.memory_space<vmem>>
    %dma_wait3A_377 = tpu.memref_squeeze %dma_wait3A_376 : memref<1x128x128xf32, #tpu.memory_space<vmem>> -> memref<128x128xf32, #tpu.memory_space<vmem>>
    tpu.wait_dma2 semaphore(%arg18 : memref<!tpu.dma_semaphore, #tpu.memory_space<semaphore_mem>>) src(%dma_wait3A_377 : memref<128x128xf32, #tpu.memory_space<vmem>>) dst(%dma_wait3A_373 : memref<128x128xf32, #tpu.memory_space<hbm>>)
    %dma_wait3A_378 = arith.constant 49 : i32
    %dma_wait3A_379 = arith.constant 0 : i32
    %dma_wait3A_380 = arith.constant 0 : i32
    %dma_wait3A_381 = arith.constant 0 : i32
    %dma_wait3A_382 = tpu.memref_slice %arg6[%dma_wait3A_379, %dma_wait3A_380, %dma_wait3A_381] : memref<7x128x128xf32, #tpu.memory_space<vmem>> -> memref<1x128x128xf32, #tpu.memory_space<vmem>>
    %dma_wait3A_383 = tpu.memref_squeeze %dma_wait3A_382 : memref<1x128x128xf32, #tpu.memory_space<vmem>> -> memref<128x128xf32, #tpu.memory_space<vmem>>
    %dma_wait3A_384 = arith.constant 0 : i32
    %dma_wait3A_385 = tpu.memref_slice %arg5[%dma_wait3A_378, %dma_wait3A_384] : memref<50x128xi32, #tpu.memory_space<vmem>> -> memref<1x128xi32, #tpu.memory_space<vmem>>
    %dma_wait3A_386 = tpu.memref_squeeze %dma_wait3A_385 : memref<1x128xi32, #tpu.memory_space<vmem>> -> memref<128xi32, #tpu.memory_space<vmem>>
    %dma_wait3A_387 = arith.constant 0 : i32
    %dma_wait3A_388 = arith.constant 0 : i32
    %dma_wait3A_389 = tpu.memref_slice %arg2[%dma_wait3A_387, %dma_wait3A_388] : memref<100000x128xf32, #tpu.memory_space<hbm>> -> memref<100000x128xf32, #tpu.memory_space<hbm>>
    tpu.wait_indirect_dma semaphore(%arg7 : memref<!tpu.dma_semaphore, #tpu.memory_space<semaphore_mem>>) src(%dma_wait3A_389 : memref<100000x128xf32, #tpu.memory_space<hbm>>) dst(%dma_wait3A_383 : memref<128x128xf32, #tpu.memory_space<vmem>>)
    %dma_start3A_390 = arith.constant 0 : i32
    %dma_start3A_391 = arith.constant 49 : i32
    %dma_start3A_392 = arith.constant 0 : i32
    %dma_start3A_393 = arith.constant 0 : i32
    %dma_start3A_394 = tpu.memref_slice %arg6[%dma_start3A_390, %dma_start3A_392, %dma_start3A_393] : memref<7x128x128xf32, #tpu.memory_space<vmem>> -> memref<1x128x128xf32, #tpu.memory_space<vmem>>
    %dma_start3A_395 = tpu.memref_squeeze %dma_start3A_394 : memref<1x128x128xf32, #tpu.memory_space<vmem>> -> memref<128x128xf32, #tpu.memory_space<vmem>>
    %dma_start3A_396 = arith.constant 0 : i32
    %dma_start3A_397 = tpu.memref_slice %arg4[%dma_start3A_391, %multiple_of3A, %dma_start3A_396] : memref<50x4096x128xf32, #tpu.memory_space<hbm>> -> memref<1x128x128xf32, #tpu.memory_space<hbm>>
    %dma_start3A_398 = tpu.memref_squeeze %dma_start3A_397 : memref<1x128x128xf32, #tpu.memory_space<hbm>> -> memref<128x128xf32, #tpu.memory_space<hbm>>
    %dma_start3A_399 = arith.constant 0 : i32
    %dma_start3A_400 = tpu.memref_slice %arg4[%dma_start3A_391, %multiple_of3A, %dma_start3A_399] : memref<50x4096x128xf32, #tpu.memory_space<hbm>> -> memref<1x128x128xf32, #tpu.memory_space<hbm>>
    %dma_start3A_401 = tpu.memref_squeeze %dma_start3A_400 : memref<1x128x128xf32, #tpu.memory_space<hbm>> -> memref<128x128xf32, #tpu.memory_space<hbm>>
    %dma_start3A_402 = arith.constant 0 : i32
    %dma_start3A_403 = arith.constant 0 : i32
    %dma_start3A_404 = tpu.memref_slice %arg6[%dma_start3A_390, %dma_start3A_402, %dma_start3A_403] : memref<7x128x128xf32, #tpu.memory_space<vmem>> -> memref<1x128x128xf32, #tpu.memory_space<vmem>>
    %dma_start3A_405 = tpu.memref_squeeze %dma_start3A_404 : memref<1x128x128xf32, #tpu.memory_space<vmem>> -> memref<128x128xf32, #tpu.memory_space<vmem>>
    tpu.enqueue_dma source(%dma_start3A_405 : memref<128x128xf32, #tpu.memory_space<vmem>>) target(%dma_start3A_401 : memref<128x128xf32, #tpu.memory_space<hbm>>) target_semaphore(%arg14 : memref<!tpu.dma_semaphore, #tpu.memory_space<semaphore_mem>>)
    %dma_wait3A_406 = arith.constant 5 : i32
    %dma_wait3A_407 = arith.constant 47 : i32
    %dma_wait3A_408 = arith.constant 0 : i32
    %dma_wait3A_409 = arith.constant 0 : i32
    %dma_wait3A_410 = tpu.memref_slice %arg6[%dma_wait3A_406, %dma_wait3A_408, %dma_wait3A_409] : memref<7x128x128xf32, #tpu.memory_space<vmem>> -> memref<1x128x128xf32, #tpu.memory_space<vmem>>
    %dma_wait3A_411 = tpu.memref_squeeze %dma_wait3A_410 : memref<1x128x128xf32, #tpu.memory_space<vmem>> -> memref<128x128xf32, #tpu.memory_space<vmem>>
    %dma_wait3A_412 = arith.constant 0 : i32
    %dma_wait3A_413 = tpu.memref_slice %arg4[%dma_wait3A_407, %multiple_of3A, %dma_wait3A_412] : memref<50x4096x128xf32, #tpu.memory_space<hbm>> -> memref<1x128x128xf32, #tpu.memory_space<hbm>>
    %dma_wait3A_414 = tpu.memref_squeeze %dma_wait3A_413 : memref<1x128x128xf32, #tpu.memory_space<hbm>> -> memref<128x128xf32, #tpu.memory_space<hbm>>
    %dma_wait3A_415 = arith.constant 0 : i32
    %dma_wait3A_416 = tpu.memref_slice %arg4[%dma_wait3A_407, %multiple_of3A, %dma_wait3A_415] : memref<50x4096x128xf32, #tpu.memory_space<hbm>> -> memref<1x128x128xf32, #tpu.memory_space<hbm>>
    %dma_wait3A_417 = tpu.memref_squeeze %dma_wait3A_416 : memref<1x128x128xf32, #tpu.memory_space<hbm>> -> memref<128x128xf32, #tpu.memory_space<hbm>>
    %dma_wait3A_418 = arith.constant 0 : i32
    %dma_wait3A_419 = arith.constant 0 : i32
    %dma_wait3A_420 = tpu.memref_slice %arg6[%dma_wait3A_406, %dma_wait3A_418, %dma_wait3A_419] : memref<7x128x128xf32, #tpu.memory_space<vmem>> -> memref<1x128x128xf32, #tpu.memory_space<vmem>>
    %dma_wait3A_421 = tpu.memref_squeeze %dma_wait3A_420 : memref<1x128x128xf32, #tpu.memory_space<vmem>> -> memref<128x128xf32, #tpu.memory_space<vmem>>
    tpu.wait_dma2 semaphore(%arg19 : memref<!tpu.dma_semaphore, #tpu.memory_space<semaphore_mem>>) src(%dma_wait3A_421 : memref<128x128xf32, #tpu.memory_space<vmem>>) dst(%dma_wait3A_417 : memref<128x128xf32, #tpu.memory_space<hbm>>)
    %dma_wait3A_422 = arith.constant 6 : i32
    %dma_wait3A_423 = arith.constant 48 : i32
    %dma_wait3A_424 = arith.constant 0 : i32
    %dma_wait3A_425 = arith.constant 0 : i32
    %dma_wait3A_426 = tpu.memref_slice %arg6[%dma_wait3A_422, %dma_wait3A_424, %dma_wait3A_425] : memref<7x128x128xf32, #tpu.memory_space<vmem>> -> memref<1x128x128xf32, #tpu.memory_space<vmem>>
    %dma_wait3A_427 = tpu.memref_squeeze %dma_wait3A_426 : memref<1x128x128xf32, #tpu.memory_space<vmem>> -> memref<128x128xf32, #tpu.memory_space<vmem>>
    %dma_wait3A_428 = arith.constant 0 : i32
    %dma_wait3A_429 = tpu.memref_slice %arg4[%dma_wait3A_423, %multiple_of3A, %dma_wait3A_428] : memref<50x4096x128xf32, #tpu.memory_space<hbm>> -> memref<1x128x128xf32, #tpu.memory_space<hbm>>
    %dma_wait3A_430 = tpu.memref_squeeze %dma_wait3A_429 : memref<1x128x128xf32, #tpu.memory_space<hbm>> -> memref<128x128xf32, #tpu.memory_space<hbm>>
    %dma_wait3A_431 = arith.constant 0 : i32
    %dma_wait3A_432 = tpu.memref_slice %arg4[%dma_wait3A_423, %multiple_of3A, %dma_wait3A_431] : memref<50x4096x128xf32, #tpu.memory_space<hbm>> -> memref<1x128x128xf32, #tpu.memory_space<hbm>>
    %dma_wait3A_433 = tpu.memref_squeeze %dma_wait3A_432 : memref<1x128x128xf32, #tpu.memory_space<hbm>> -> memref<128x128xf32, #tpu.memory_space<hbm>>
    %dma_wait3A_434 = arith.constant 0 : i32
    %dma_wait3A_435 = arith.constant 0 : i32
    %dma_wait3A_436 = tpu.memref_slice %arg6[%dma_wait3A_422, %dma_wait3A_434, %dma_wait3A_435] : memref<7x128x128xf32, #tpu.memory_space<vmem>> -> memref<1x128x128xf32, #tpu.memory_space<vmem>>
    %dma_wait3A_437 = tpu.memref_squeeze %dma_wait3A_436 : memref<1x128x128xf32, #tpu.memory_space<vmem>> -> memref<128x128xf32, #tpu.memory_space<vmem>>
    tpu.wait_dma2 semaphore(%arg20 : memref<!tpu.dma_semaphore, #tpu.memory_space<semaphore_mem>>) src(%dma_wait3A_437 : memref<128x128xf32, #tpu.memory_space<vmem>>) dst(%dma_wait3A_433 : memref<128x128xf32, #tpu.memory_space<hbm>>)
    %dma_wait3A_438 = arith.constant 0 : i32
    %dma_wait3A_439 = arith.constant 49 : i32
    %dma_wait3A_440 = arith.constant 0 : i32
    %dma_wait3A_441 = arith.constant 0 : i32
    %dma_wait3A_442 = tpu.memref_slice %arg6[%dma_wait3A_438, %dma_wait3A_440, %dma_wait3A_441] : memref<7x128x128xf32, #tpu.memory_space<vmem>> -> memref<1x128x128xf32, #tpu.memory_space<vmem>>
    %dma_wait3A_443 = tpu.memref_squeeze %dma_wait3A_442 : memref<1x128x128xf32, #tpu.memory_space<vmem>> -> memref<128x128xf32, #tpu.memory_space<vmem>>
    %dma_wait3A_444 = arith.constant 0 : i32
    %dma_wait3A_445 = tpu.memref_slice %arg4[%dma_wait3A_439, %multiple_of3A, %dma_wait3A_444] : memref<50x4096x128xf32, #tpu.memory_space<hbm>> -> memref<1x128x128xf32, #tpu.memory_space<hbm>>
    %dma_wait3A_446 = tpu.memref_squeeze %dma_wait3A_445 : memref<1x128x128xf32, #tpu.memory_space<hbm>> -> memref<128x128xf32, #tpu.memory_space<hbm>>
    %dma_wait3A_447 = arith.constant 0 : i32
    %dma_wait3A_448 = tpu.memref_slice %arg4[%dma_wait3A_439, %multiple_of3A, %dma_wait3A_447] : memref<50x4096x128xf32, #tpu.memory_space<hbm>> -> memref<1x128x128xf32, #tpu.memory_space<hbm>>
    %dma_wait3A_449 = tpu.memref_squeeze %dma_wait3A_448 : memref<1x128x128xf32, #tpu.memory_space<hbm>> -> memref<128x128xf32, #tpu.memory_space<hbm>>
    %dma_wait3A_450 = arith.constant 0 : i32
    %dma_wait3A_451 = arith.constant 0 : i32
    %dma_wait3A_452 = tpu.memref_slice %arg6[%dma_wait3A_438, %dma_wait3A_450, %dma_wait3A_451] : memref<7x128x128xf32, #tpu.memory_space<vmem>> -> memref<1x128x128xf32, #tpu.memory_space<vmem>>
    %dma_wait3A_453 = tpu.memref_squeeze %dma_wait3A_452 : memref<1x128x128xf32, #tpu.memory_space<vmem>> -> memref<128x128xf32, #tpu.memory_space<vmem>>
    tpu.wait_dma2 semaphore(%arg14 : memref<!tpu.dma_semaphore, #tpu.memory_space<semaphore_mem>>) src(%dma_wait3A_453 : memref<128x128xf32, #tpu.memory_space<vmem>>) dst(%dma_wait3A_449 : memref<128x128xf32, #tpu.memory_space<hbm>>)
    return
  }
}

</mosaic_0001>

<sc_bundles>
// kernel: kernel.3.cloned.1.call-start
scs
__scs_entry_jumppad:
0x0: {  	(pc) =	sbr.rel $0x88, $3  }
0x1: {  	(tag) =	ssettag $0x0;
	lr =	simm.s32 $0x1  }
0x2: {  	[smem:$0x3F9F] =	sst lr;
	_ =	strace $0xD0000000  }
0x3: {  	_ = 	snop  }
0x4: {  	_ = 	snop  }
0x5: {  	_ = 	snop  }
0x6: {  	_ = 	snop  }
0x7: {  	_ = 	snop  }
__scs_overlays_trampoline_lowered:
0x8: {  	[smem:$0x3FAE] =	sst s0  }
0x9: {  	[smem:$0x3FAF] =	sst s1  }
0xa: {  	[smem:$0x3FB0] =	sst s2  }
0xb: {  	[smem:$0x3FB1] =	sst s3  }
0xc: {  	[smem:$0x3FB2] =	sst s4  }
0xd: {  	[smem:$0x3FB3] =	sst s5  }
0xe: {  	[smem:$0x3FB4] =	sst s6  }
0xf: {  	[smem:$0x3FB5] =	sst s7  }
0x10: {  	[smem:$0x3FB6] =	sst s8  }
0x11: {  	[smem:$0x3FB7] =	sst s9;
	s0 =	simm.s32 @!p0 $0x0  }
0x12: {  	s1 =	sld [smem:$0x3F9D];
	s0 =	simm.s32 @p0 $0x1  }
0x13: {  	[smem:$0x3FB8] =	sst s0;
	s0 =	simm.s32 @!p1 $0x0  }
0x14: {  	s2 =	sld [smem:$0x3F9C];
	s0 =	simm.s32 @p1 $0x1  }
0x15: {  	[smem:$0x3FB9] =	sst s0;
	s0 =	simm.s32 @!p2 $0x0  }
0x16: {  	s3 =	sld [smem:$0x3FDB];
	s0 =	simm.s32 @p2 $0x1  }
0x17: {  	s4 =	simm.s32 $0x1BF5;
	[smem:$0x3FBB] =	sst s0  }
0x18: {  	s0 =	sld [smem:$0x3F9E];
	_ =	swait.ge [sflag:s4], $0x0  }
0x19: {  	s7 =	sld [smem:$0x3F9F]  }
0x1a: {  	s8 =	sadd.s32 $0xFFFFE003, lr  }
0x1b: {  	s9 =	sadd.s32 $0xFFFFFEF7, lr;
	s5 =	simm.s32 $0xFFFFFFFF;
	p2 =	slt.u32 s8, $0xFFFFF086  }
0x1c: {  	p1 =	slt.u32 s9, $0xF7A;
	s5 =	simm.s32 @!p2 $0x0  }
0x1d: {  	s5 =	simm.s32 @p1 $0x1;
	p0 =	seq.s32 s7, s2  }
0x1e: {  	s7 =	smul.u32 @!p0 $0xF7A, s2;
	p2 =	seq.s32 @!p0 s5, $0x0  }
0x1f: {  	s9 =	smul.u32 $0xF7A, s1;
	s8 =	simm.s32 @!p0 $0x1BF5;
	p2 =	por !p2, p0  }
0x20: {  	[sflag:s8] =	ssyncset.s32 @!p0 $0xFFFFF086;
	s6 =	sadd.s32 @!p0 s3, s7;
	s7 =	simm.s32 @!p0 $0x108  }
0x21: {  	s3 =	sadd.s32 s3, s9;
	s6 =	sadd.s32 @!p0 $0x88, s6;
	s7 =	simm.s32 @p2 $0x1082  }
0x22: {  	[simem:s7], [sflag:s8] =	dma.local @!p0 [hbm:s6], $0xF7A  }
0x23: {  	s9 =	sor.u32 $0xD0000000, s2;
	s6 =	simm.s32 $0x108;
	_ =	swait.ge @!p0 [sflag:s8], $0x0  }
0x24: {  	s3 =	sadd.s32 $0x88, s3;
	s6 =	simm.s32 @!p1 $0x1082;
	[sflag:s4] =	ssyncset.s32 $0xFFFFF086  }
0x25: {  	[simem:s6], [sflag:s4] =	dma.local [hbm:s3], $0xF7A  }
0x26: {  	[smem:$0x3F9F] =	sst s1;
	(tag) =	ssettag s2;
	_ =	strace s9  }
0x27: {  	s1 =	sld [smem:$0x3FAF]  }
0x28: {  	s2 =	sld [smem:$0x3FB0]  }
0x29: {  	s4 =	sld [smem:$0x3FB2]  }
0x2a: {  	p0 =	seq.s32 s5, $0x0;
	s5 =	sld [smem:$0x3FB3]  }
0x2b: {  	s6 =	sld [smem:$0x3FB4]  }
0x2c: {  	s7 =	sld [smem:$0x3FB5]  }
0x2d: {  	s3 =	simm.s32 $0x108;
	s8 =	sld [smem:$0x3FB6]  }
0x2e: {  	s3 =	simm.s32 @!p0 $0x1082;
	s9 =	sld [smem:$0x3FB7]  }
0x2f: {  	lr =	sadd.s32 s0, s3;
	s0 =	sld [smem:$0x3FAE]  }
0x30: {  	s3 =	sld [smem:$0x3FB1]  }
0x31: {  	[smem:$0x3FBA] =	sst s10  }
0x32: {  	s10 =	sld [smem:$0x3FB8];
	_ =	sdelay $0x3  }
0x33: {  	p0 =	seq.s32 s10, $0x1;
	s10 =	sld [smem:$0x3FBA];
	_ =	sdelay $0x3  }
0x34: {  	[smem:$0x3FBA] =	sst s10  }
0x35: {  	s10 =	sld [smem:$0x3FB9];
	_ =	sdelay $0x3  }
0x36: {  	p1 =	seq.s32 s10, $0x1;
	s10 =	sld [smem:$0x3FBA];
	_ =	sdelay $0x3  }
0x37: {  	[smem:$0x3FBA] =	sst s10  }
0x38: {  	s10 =	sld [smem:$0x3FBB]  }
0x39: {  	_ = 	snop;
	(pc) =	sbr.ind lr, $3  }
0x3a: {  	_ = 	snop  }
0x3b: {  	_ = 	snop  }
0x3c: {  	p2 =	seq.s32 s10, $0x1;
	s10 =	sld [smem:$0x3FBA]  }
0x3d: {  	_ =	shalt  }
0x3e: {  	_ =	shalt  }
0x3f: {  	_ =	shalt  }
0x40: {  	_ =	shalt  }
0x41: {  	_ =	shalt  }
0x42: {  	_ =	shalt  }
0x43: {  	_ =	shalt  }
0x44: {  	_ =	shalt  }
0x45: {  	_ =	shalt  }
0x46: {  	_ =	shalt  }
0x47: {  	_ =	shalt  }
0x48: {  	_ =	shalt  }
0x49: {  	_ =	shalt  }
0x4a: {  	_ =	shalt  }
0x4b: {  	_ =	shalt  }
0x4c: {  	_ =	shalt  }
0x4d: {  	_ =	shalt  }
0x4e: {  	_ =	shalt  }
0x4f: {  	_ =	shalt  }
0x50: {  	_ =	shalt  }
0x51: {  	_ =	shalt  }
0x52: {  	_ =	shalt  }
0x53: {  	_ =	shalt  }
0x54: {  	_ =	shalt  }
0x55: {  	_ =	shalt  }
0x56: {  	_ =	shalt  }
0x57: {  	_ =	shalt  }
0x58: {  	_ =	shalt  }
0x59: {  	_ =	shalt  }
0x5a: {  	_ =	shalt  }
0x5b: {  	_ =	shalt  }
0x5c: {  	_ =	shalt  }
0x5d: {  	_ =	shalt  }
0x5e: {  	_ =	shalt  }
0x5f: {  	_ =	shalt  }
0x60: {  	_ =	shalt  }
0x61: {  	_ =	shalt  }
0x62: {  	_ =	shalt  }
0x63: {  	_ =	shalt  }
0x64: {  	_ =	shalt  }
0x65: {  	_ =	shalt  }
0x66: {  	_ =	shalt  }
0x67: {  	_ =	shalt  }
0x68: {  	_ =	shalt  }
0x69: {  	_ =	shalt  }
0x6a: {  	_ =	shalt  }
0x6b: {  	_ =	shalt  }
0x6c: {  	_ =	shalt  }
0x6d: {  	_ =	shalt  }
0x6e: {  	_ =	shalt  }
0x6f: {  	_ =	shalt  }
0x70: {  	_ =	shalt  }
0x71: {  	_ =	shalt  }
0x72: {  	_ =	shalt  }
0x73: {  	_ =	shalt  }
0x74: {  	_ =	shalt  }
0x75: {  	_ =	shalt  }
0x76: {  	_ =	shalt  }
0x77: {  	_ =	shalt  }
0x78: {  	_ =	shalt  }
0x79: {  	_ =	shalt  }
0x7a: {  	_ =	shalt  }
0x7b: {  	_ =	shalt  }
0x7c: {  	_ =	shalt  }
0x7d: {  	_ =	shalt  }
0x7e: {  	_ =	shalt  }
0x7f: {  	_ =	shalt  }
0x80: {  	_ =	shalt  }
0x81: {  	_ =	shalt  }
0x82: {  	_ =	shalt  }
0x83: {  	_ =	shalt  }
0x84: {  	_ =	shalt  }
0x85: {  	_ =	shalt  }
0x86: {  	_ =	shalt  }
0x87: {  	_ =	shalt  }
.Lfunc_end0:
.L_simem_size_0:
called_computation_lowered:
.L_overlay_start_0:
0x88: {  	s2 =	sld [smem:$0x3FD9]  }
0x89: {  	s3 =	sld [smem:$0x3FFE];
	_ =	sdelay $0x1  }
0x8a: {  	s1 =	srdreg.scid  }
0x8b: {  	s0 =	sand.u32 $0x1, s1  }
0x8c: {  	s18 =	sshll.u32 s0, $0xA;
	s2 =	sadd.s32 s3, s2  }
0x8d: {  	s2 =	sadd.s32 s2, s18  }
0x8e: {  	[smem:$0x3FC6] =	sst s2  }
0x8f: {  	_ = 	snop  }
0x90: {  	s2 =	sld [smem:$0x3FC9]  }
0x91: {  	s19 =	sld [smem:$0x3FC8]  }
0x92: {  	s4 =	sld [smem:$0x3FD0];
	(tm) =	ssettm $0x1  }
0x93: {  	s5 =	sld [smem:$0x3FFB];
	_ =	sdelay $0x3  }
0x94: {  	_ =	strace s5  }
0x95: {  	s5 =	sld [smem:$0x3FFC];
	_ =	sdelay $0x3  }
0x96: {  	_ =	strace s5  }
0x97: {  	s5 =	sld [smem:$0x3FFD];
	_ =	sdelay $0x3  }
0x98: {  	_ =	strace s5  }
0x99: {  	_ =	strace $0x8FFFFFFF  }
0x9a: {  	s20 =	sld [smem:$0x3FDB];
	_ =	sdelay $0x1  }
0x9b: {  	s6 =	simm.s32 $_scs_section_size  }
0x9c: {  	s7 =	simm.s32 $_size__tile_overlayer_lowered;
	s8 =	simm.s32 $_tile_overlayer_lowered  }
0x9d: {  	s23 =	simm.s32 $0x1BFF;
	s22 =	sshll.u32 s8, $0x1;
	s5 =	sadd.s32 s6, s20  }
0x9e: {  	s9 =	simm.s32 $0x0;
	s21 =	sshll.u32 s7, $0x1;
	s7 =	sadd.s32 s22, s5  }
0x9f: {  	[timem:s9], [sflag:s23] =	dma.local [hbm:s7], s21  }
0xa0: {  	_ =	swait.ge [sflag:s23], s21  }
0xa1: {  	s6 =	ssub.s32 $0x0, s21;
	[sflag:s23] =	ssyncset.done $0x0  }
0xa2: {  	[sflag:s23] =	ssyncadd.s32 s6;
	_ =	sdelay $0x1  }
0xa3: {  	s24 =	simm.s32 $0x1B8B  }
0xa4: {  	_ =	swait.ge [sflag:s24], $0x1  }
0xa5: {  	[sflag:s24] =	ssyncset.done $0x0  }
0xa6: {  	s25 =	simm.s32 $0x1B8E;
	[sflag:s24] =	ssyncadd.s32 $0xFFFFFFFF  }
0xa7: {  	s26 =	simm.s32 $execute0_lowered;
	[smem:$0x3FD2] =	sst s25  }
0xa8: {  	s6 =	sshll.u32 s26, $0x1;
	_ =	strace $0x80000046;
	[dreg:$0x1] =	wrdreg $0xFFFFFFFF  }
0xa9: {  	s28 =	simm.s32 $_size_execute0_lowered;
	s5 =	sadd.s32 s5, s6;
	[dreg:$0x0] =	wrdreg $0x0  }
0xaa: {  	s6 =	sshll.u32 s28, $0x1;
	[dreg:$0x2] =	wrdreg s5  }
0xab: {  	[dreg:$0x3] =	wrdreg s6  }
0xac: {  	[dreg:$0x4] =	wrdreg $0xC0  }
0xad: {  	_ =	task [dreg:s9], $0x5FFFF  }
0xae: {  	[dreg:$0x1] =	wrdreg $0xFFFFFFFF  }
0xaf: {  	[dreg:$0x0] =	wrdreg $0x60  }
0xb0: {  	[dreg:$0x2] =	wrdreg s19  }
0xb1: {  	[dreg:$0x3] =	wrdreg s2  }
0xb2: {  	[dreg:$0x4] =	wrdreg s4  }
0xb3: {  	[dreg:$0x5] =	wrdreg $0x9  }
0xb4: {  	_ =	task.clear_ibuf [dreg:s9], $0x6FFFF;
	_ =	strace $0x90000046  }
0xb5: {  	s29 =	simm.s32 $0x9;
	_ =	strace $0x80000048  }
0xb6: {  	_ =	swait.ge [sflag:s29], $0x1  }
0xb7: {  	[sflag:s29] =	ssyncadd.s32 $0xFFFFFFFF  }
0xb8: {  	_ =	strace $0x90000048  }
0xb9: {  	_ =	sfence  }
0xba: {  	s30 =	sld [smem:$0x0];
	_ =	sdelay $0x2  }
0xbb: {  	s31 =	sshll.u32 s1, $0xD;
	s1 =	sshrl.u32 s1, $0x2  }
0xbc: {  	s3 =	sand.u32 $0x4000, s31;
	s1 =	sadd.s32 s1, s30  }
0xbd: {  	s0 =	sor.u32 s3, s0;
	s1 =	sshll.u32 s1, $0x11  }
0xbe: {  	s0 =	sor.u32 s1, s0  }
0xbf: {  	s0 =	sadd.s32 $0x8F2B, s0  }
0xc0: {  	[sflag:s0] =	ssyncadd.remote.s32 $0x1  }
0xc1: {  	_ =	sfence.sel $0xFFFF  }
0xc2: {  	[dreg:$0x0] =	wrdreg $0xFFFFFFFF;
	(pc) =	sbr.abs _section_cstart, $3  }
0xc3: {  	[dreg:$0x1] =	wrdreg $0xFFFFFFFF  }
0xc4: {  	_ =	task.clear_ibuf [dreg:s9], $0x2FFFF;
	_ =	strace $0x9FFFFFFF  }
0xc5: {  	(tm) =	ssettm $0x7FFFFFFF  }
tec
execute0_lowered:
.L_overlay_start_1:
0x0: {  	(tag) =	ssettag $0x1  }
0x1: {  	s1 =	rddreg [dreg:$0x0]  }
0x2: {  	s0 =	rddreg [dreg:$0x1];
	s2 =	srdreg.scid  }
0x3: {  	s24 =	rddreg [dreg:$0x2];
	s7 =	stileid.u32;
	s2 =	sand.u32 $0x1, s2  }
0x4: {  	s4 =	simm.s32 $0x0;
	s3 =	sshll.u32 s7, $0x8;
	s5 =	sshll.u32 s2, $0x7  }
0x5: {  	[smem:$0x7FF] =	sst s4;
	s6 =	ssub.s32 $0x2, s2;
	s3 =	sor.u32 s5, s3  }
0x6: {  	_ =	strace $0x80000047;
	s23 =	sshrl.u32 s6, $0x1;
	s8 =	sadd.s32 s0, s3  }
0x7: {  	s25 =	sshll.u32 s3, $0x4;
	[dreg:$0x4] =	wrdreg s8;
	s29 =	sadd.s32 $0x6000, s8  }
0x8: {  	s26 =	ssub.s32 s6, s23;
	s30 =	sadd.s32 s24, s25;
	[dreg:$0x5] =	wrdreg s29  }
0x9: {  	s28 =	simm.s32 $0x80;
	s15 =	smax.u32 s26, $0x1;
	[dreg:$0x6] =	wrdreg s30  }
0xa: {  	s31 =	simm.s32 $0x9C00;
	s0 =	sadd.s32 $0x10000, s30;
	[dreg:$0xe] =	wrdreg s15  }
0xb: {  	s11 =	sshll.u32 s7, $0xF;
	s8 =	sadd.s32 $0x2C0000, s30;
	[dreg:$0x7] =	wrdreg s0  }
0xc: {  	s7 =	simm.s32 $0xC;
	s9 =	sadd.s32 $0x2D0000, s30;
	[dreg:$0x8] =	wrdreg s8  }
0xd: {  	s2 =	sshll.u32 s2, $0xE;
	s10 =	sadd.s32 $0x2E0000, s30;
	[dreg:$0x9] =	wrdreg s9  }
0xe: {  	s5 =	simm.s32 $0xA;
	s12 =	sadd.s32 $0x2F0000, s30;
	[dreg:$0xa] =	wrdreg s10  }
0xf: {  	s6 =	simm.s32 $0x5C00;
	s13 =	sadd.s32 $0x300000, s30;
	[dreg:$0xb] =	wrdreg s12  }
0x10: {  	s14 =	sadd.s32 $0x310000, s30;
	s15 =	simm.s32 $0x7;
	[dreg:$0xc] =	wrdreg s13  }
0x11: {  	s0 =	sor.u32 s2, s11;
	[dreg:$0xd] =	wrdreg s14;
	s9 =	simm.s32 $0x2  }
0x12: {  	s11 =	simm.s32 $0x9;
	s12 =	simm.s32 $0x5;
	s13 =	simm.s32 $0x6  }
0x13: {  	s14 =	simm.s32 $0xB;
	s16 =	sor.u32 $0x300000, s0;
	s17 =	sor.u32 $0x280000, s0  }
0x14: {  	s18 =	sor.u32 $0x200000, s0;
	s22 =	sor.u32 $0x180000, s0;
	s23 =	sor.u32 $0x100000, s0  }
0x15: {  	s25 =	sor.u32 $0x400000, s0;
	s0 =	sor.u32 $0x380000, s0;
	s2 =	sshrl.u32 s16, $0x3  }
0x16: {  	s20 =	sshrl.u32 s18, $0x3;
	[dreg:$0x15] =	wrdreg s0;
	s2 =	sadd.s32 s2, s24  }
0x17: {  	s19 =	sshrl.u32 s17, $0x3;
	s21 =	sadd.s32 s20, s24;
	[dreg:$0xf] =	wrdreg s2  }
0x18: {  	s29 =	sshrl.u32 s25, $0x3;
	s2 =	sadd.s32 s19, s24;
	[dreg:$0x11] =	wrdreg s21  }
0x19: {  	s30 =	sadd.s32 s29, s24;
	[dreg:$0x10] =	wrdreg s2;
	s2 =	sshrl.u32 s22, $0x3  }
0x1a: {  	s26 =	sshrl.u32 s23, $0x3;
	[dreg:$0x14] =	wrdreg s30;
	s2 =	sadd.s32 s2, s24  }
0x1b: {  	s16 =	simm.s32 $0xE;
	[dreg:$0x12] =	wrdreg s2;
	s2 =	sadd.s32 s26, s24  }
0x1c: {  	s26 =	simm.s32 $0xD;
	[dreg:$0x13] =	wrdreg s2;
	s2 =	simm.s32 $0x0  }
.LBB2_1:
0x1d: {  	[dreg:$0x16] =	wrdreg s2  }
0x1e: {  	s0 =	rddreg [dreg:$0x4];
	s3 =	simm.s32 $0x400;
	s17 =	simm.s32 $0x8000  }
0x1f: {  	[tilespmem:s4], [sflag:$0xF] =	stream.strided.gather [hbm4b:s0+s3], $0x1800, s17, s3, $0x38;
	[tilespmem:$0x1DC00] =	vst v63  }
0x20: {  	s23 =	rddreg [dreg:$0x5];
	s25 =	simm.s32 $0x1800;
	s30 =	simm.s32 $0xF  }
0x21: {  	[tilespmem:s25], [sflag:$0xF] =	stream.linear.gather [hbm4b:s23+s4], $0x100, $0x38;
	[tilespmem:$0x1DC00] =	vst v63  }
0x22: {  	_ =	swait.ge [sflag:s30], $0x1900  }
0x23: {  	[sflag:s30] =	ssyncset.done $0x0  }
0x24: {  	s18 =	simm.s32 $0x1C00;
	[sflag:s30] =	ssyncadd.s32 $0xFFFFE700  }
0x25: {  	[tilespmem:s18], [sflag:$0x1] =	stream.indirect.gather [hbm4b:s1+s28], $0x80, s4, s28, $0xb8;
	[tilespmem:$0x1DC00] =	vst v63  }
0x26: {  	_ = 	snop  }
0x27: {  	[tilespmem:s6], [sflag:$0x2] =	stream.indirect.gather [hbm4b:s1+s28], $0x80, s28, s28, $0xb8;
	[tilespmem:$0x1DC00] =	vst v63  }
0x28: {  	s2 =	simm.s32 $0x100;
	s3 =	simm.s32 $0x9C00  }
0x29: {  	[tilespmem:s3], [sflag:$0x3] =	stream.indirect.gather [hbm4b:s1+s28], $0x80, s2, s28, $0xb8;
	[tilespmem:$0x1DC00] =	vst v63  }
0x2a: {  	s8 =	simm.s32 $0x180;
	s2 =	simm.s32 $0xDC00  }
0x2b: {  	[tilespmem:s2], [sflag:$0x4] =	stream.indirect.gather [hbm4b:s1+s28], $0x80, s8, s28, $0xb8;
	[tilespmem:$0x1DC00] =	vst v63  }
0x2c: {  	s10 =	simm.s32 $0x200;
	s20 =	simm.s32 $0x1;
	s8 =	simm.s32 $0x11C00  }
0x2d: {  	[tilespmem:s8], [sflag:$0x5] =	stream.indirect.gather [hbm4b:s1+s28], $0x80, s10, s28, $0xb8;
	[tilespmem:$0x1DC00] =	vst v63  }
0x2e: {  	_ =	swait.ge [sflag:s20], $0x4000  }
0x2f: {  	[sflag:s20] =	ssyncset.done $0x0  }
0x30: {  	s17 =	rddreg [dreg:$0x6];
	[sflag:s20] =	ssyncadd.s32 $0xFFFFC000  }
0x31: {  	[hbm4b:s17+s4] =	stream.linear.scatter [tilespmem:s18], [sflag:$0x8], $0x4000, $0x38;
	[tilespmem:$0x1DC00] =	vst v63  }
0x32: {  	s19 =	simm.s32 $0x280;
	s21 =	simm.s32 $0x15C00  }
0x33: {  	[tilespmem:s21], [sflag:$0x6] =	stream.indirect.gather [hbm4b:s1+s28], $0x80, s19, s28, $0xb8;
	[tilespmem:$0x1DC00] =	vst v63  }
0x34: {  	_ =	swait.ge [sflag:s9], $0x4000  }
0x35: {  	[sflag:s9] =	ssyncset.done $0x0  }
0x36: {  	s22 =	rddreg [dreg:$0x7];
	[sflag:s9] =	ssyncadd.s32 $0xFFFFC000  }
0x37: {  	[hbm4b:s22+s4] =	stream.linear.scatter [tilespmem:s6], [sflag:$0x9], $0x4000, $0x38;
	[tilespmem:$0x1DC00] =	vst v63  }
0x38: {  	s23 =	simm.s32 $0x300;
	s25 =	simm.s32 $0x3;
	s10 =	simm.s32 $0x19C00  }
0x39: {  	[tilespmem:s10], [sflag:$0x7] =	stream.indirect.gather [hbm4b:s1+s28], $0x80, s23, s28, $0xb8;
	[tilespmem:$0x1DC00] =	vst v63  }
0x3a: {  	_ =	swait.ge [sflag:s25], $0x4000  }
0x3b: {  	[sflag:s25] =	ssyncset.done $0x0  }
0x3c: {  	s30 =	simm.s32 $0x8;
	s22 =	rddreg [dreg:$0x13];
	[sflag:s25] =	ssyncadd.s32 $0xFFFFC000  }
0x3d: {  	[hbm4b:s22+s4] =	stream.linear.scatter [tilespmem:s3], [sflag:$0xA], $0x4000, $0x38;
	[tilespmem:$0x1DC00] =	vst v63  }
0x3e: {  	_ =	swait.ge [sflag:s30], $0x4000  }
0x3f: {  	[sflag:s30] =	ssyncset.done $0x0  }
0x40: {  	s17 =	simm.s32 $0x380;
	s19 =	simm.s32 $0x4;
	[sflag:s30] =	ssyncadd.s32 $0xFFFFC000  }
0x41: {  	[tilespmem:s18], [sflag:$0x1] =	stream.indirect.gather [hbm4b:s1+s28], $0x80, s17, s28, $0xb8;
	[tilespmem:$0x1DC00] =	vst v63  }
0x42: {  	_ =	swait.ge [sflag:s19], $0x4000  }
0x43: {  	[sflag:s19] =	ssyncset.done $0x0  }
0x44: {  	s17 =	rddreg [dreg:$0x12];
	[sflag:s19] =	ssyncadd.s32 $0xFFFFC000  }
0x45: {  	[hbm4b:s17+s4] =	stream.linear.scatter [tilespmem:s2], [sflag:$0xB], $0x4000, $0x38;
	[tilespmem:$0x1DC00] =	vst v63  }
0x46: {  	_ =	swait.ge [sflag:s11], $0x4000  }
0x47: {  	[sflag:s11] =	ssyncset.done $0x0  }
0x48: {  	s23 =	simm.s32 $0x400;
	[sflag:s11] =	ssyncadd.s32 $0xFFFFC000  }
0x49: {  	[tilespmem:s6], [sflag:$0x2] =	stream.indirect.gather [hbm4b:s1+s28], $0x80, s23, s28, $0xb8;
	[tilespmem:$0x1DC00] =	vst v63  }
0x4a: {  	_ =	swait.ge [sflag:s12], $0x4000  }
0x4b: {  	[sflag:s12] =	ssyncset.done $0x0  }
0x4c: {  	s29 =	rddreg [dreg:$0x11];
	[sflag:s12] =	ssyncadd.s32 $0xFFFFC000  }
0x4d: {  	[hbm4b:s29+s4] =	stream.linear.scatter [tilespmem:s8], [sflag:$0xC], $0x4000, $0x38;
	[tilespmem:$0x1DC00] =	vst v63  }
0x4e: {  	_ =	swait.ge [sflag:s5], $0x4000  }
0x4f: {  	[sflag:s5] =	ssyncset.done $0x0  }
0x50: {  	s25 =	simm.s32 $0x480;
	[sflag:s5] =	ssyncadd.s32 $0xFFFFC000  }
0x51: {  	[tilespmem:s3], [sflag:$0x3] =	stream.indirect.gather [hbm4b:s1+s28], $0x80, s25, s28, $0xb8;
	[tilespmem:$0x1DC00] =	vst v63  }
0x52: {  	_ =	swait.ge [sflag:s13], $0x4000  }
0x53: {  	[sflag:s13] =	ssyncset.done $0x0  }
0x54: {  	s3 =	rddreg [dreg:$0x10];
	[sflag:s13] =	ssyncadd.s32 $0xFFFFC000  }
0x55: {  	[hbm4b:s3+s4] =	stream.linear.scatter [tilespmem:s21], [sflag:$0xD], $0x4000, $0x38;
	[tilespmem:$0x1DC00] =	vst v63  }
0x56: {  	_ =	swait.ge [sflag:s14], $0x4000  }
0x57: {  	[sflag:s14] =	ssyncset.done $0x0  }
0x58: {  	s30 =	simm.s32 $0x500;
	[sflag:s14] =	ssyncadd.s32 $0xFFFFC000  }
0x59: {  	[tilespmem:s2], [sflag:$0x4] =	stream.indirect.gather [hbm4b:s1+s28], $0x80, s30, s28, $0xb8;
	[tilespmem:$0x1DC00] =	vst v63  }
0x5a: {  	_ =	swait.ge [sflag:s15], $0x4000  }
0x5b: {  	[sflag:s15] =	ssyncset.done $0x0  }
0x5c: {  	s23 =	rddreg [dreg:$0xf];
	[sflag:s15] =	ssyncadd.s32 $0xFFFFC000  }
0x5d: {  	[hbm4b:s23+s4] =	stream.linear.scatter [tilespmem:s10], [sflag:$0xE], $0x4000, $0x38;
	[tilespmem:$0x1DC00] =	vst v63  }
0x5e: {  	_ =	swait.ge [sflag:s7], $0x4000  }
0x5f: {  	[sflag:s7] =	ssyncset.done $0x0  }
0x60: {  	s2 =	simm.s32 $0x580;
	[sflag:s7] =	ssyncadd.s32 $0xFFFFC000  }
0x61: {  	[tilespmem:s8], [sflag:$0x5] =	stream.indirect.gather [hbm4b:s1+s28], $0x80, s2, s28, $0xb8;
	[tilespmem:$0x1DC00] =	vst v63  }
0x62: {  	_ =	swait.ge [sflag:s20], $0x4000  }
0x63: {  	s19 =	rddreg [dreg:$0x15]  }
0x64: {  	[sflag:s20] =	ssyncset.done $0x0;
	s10 =	sshrl.u32 s19, $0x3  }
0x65: {  	[sflag:s20] =	ssyncadd.s32 $0xFFFFC000;
	s0 =	sadd.s32 s24, s10  }
0x66: {  	[hbm4b:s0+s4] =	stream.linear.scatter [tilespmem:s18], [sflag:$0x8], $0x4000, $0x38;
	[tilespmem:$0x1DC00] =	vst v63  }
0x67: {  	_ =	swait.ge [sflag:s26], $0x4000  }
0x68: {  	[sflag:s26] =	ssyncset.done $0x0  }
0x69: {  	s25 =	simm.s32 $0x600;
	[sflag:s26] =	ssyncadd.s32 $0xFFFFC000  }
0x6a: {  	[tilespmem:s21], [sflag:$0x6] =	stream.indirect.gather [hbm4b:s1+s28], $0x80, s25, s28, $0xb8;
	[tilespmem:$0x1DC00] =	vst v63  }
0x6b: {  	s22 =	sadd.s32 $0x70000, s22;
	_ =	swait.ge [sflag:s9], $0x4000  }
0x6c: {  	s19 =	sadd.s32 $0x380000, s19;
	s18 =	simm.s32 $0xE00;
	[sflag:s9] =	ssyncset.done $0x0  }
0x6d: {  	s0 =	simm.s32 $0x680;
	s30 =	rddreg [dreg:$0x14];
	[sflag:s9] =	ssyncadd.s32 $0xFFFFC000  }
0x6e: {  	[hbm4b:s30+s4] =	stream.linear.scatter [tilespmem:s6], [sflag:$0x9], $0x4000, $0x38;
	[tilespmem:$0x1DC00] =	vst v63  }
0x6f: {  	s21 =	sadd.s32 $0x70000, s17;
	s17 =	sadd.s32 $0x70000, s3;
	_ =	swait.ge [sflag:s16], $0x4000  }
0x70: {  	s3 =	sadd.s32 $0x70000, s29;
	s29 =	sadd.s32 $0x70000, s23;
	[sflag:s16] =	ssyncset.done $0x0  }
0x71: {  	s20 =	sadd.s32 $0x70000, s30;
	s6 =	simm.s32 $0x5C00;
	[sflag:s16] =	ssyncadd.s32 $0xFFFFC000  }
.LBB2_2:
0x72: {  	s10 =	simm.s32 $0x19C00;
	s2 =	simm.s32 $0x3  }
0x73: {  	[tilespmem:s10], [sflag:$0x7] =	stream.indirect.gather [hbm4b:s1+s28], $0x80, s0, s28, $0xb8;
	[tilespmem:$0x1DC00] =	vst v63  }
0x74: {  	_ =	swait.ge [sflag:s2], $0x4000  }
0x75: {  	[sflag:s2] =	ssyncset.done $0x0  }
0x76: {  	s8 =	simm.s32 $0x8;
	[sflag:s2] =	ssyncadd.s32 $0xFFFFC000;
	s2 =	simm.s32 $0x9C00  }
0x77: {  	[hbm4b:s22+s4] =	stream.linear.scatter [tilespmem:s2], [sflag:$0xA], $0x4000, $0x38;
	[tilespmem:$0x1DC00] =	vst v63  }
0x78: {  	s9 =	smov.u32 s18;
	_ =	swait.ge [sflag:s8], $0x4000  }
0x79: {  	s0 =	sshra.s32 s9, $0x2;
	[sflag:s8] =	ssyncset.done $0x0  }
0x7a: {  	s24 =	simm.s32 $0x1C00;
	s23 =	sadd.s32 $0x380, s0;
	[sflag:s8] =	ssyncadd.s32 $0xFFFFC000  }
0x7b: {  	[tilespmem:s24], [sflag:$0x1] =	stream.indirect.gather [hbm4b:s1+s28], $0x80, s23, s28, $0xb8;
	[tilespmem:$0x1DC00] =	vst v63  }
0x7c: {  	s23 =	simm.s32 $0x4  }
0x7d: {  	_ =	swait.ge [sflag:s23], $0x4000  }
0x7e: {  	[sflag:s23] =	ssyncset.done $0x0  }
0x7f: {  	s8 =	simm.s32 $0xDC00;
	[sflag:s23] =	ssyncadd.s32 $0xFFFFC000  }
0x80: {  	[hbm4b:s21+s4] =	stream.linear.scatter [tilespmem:s8], [sflag:$0xB], $0x4000, $0x38;
	[tilespmem:$0x1DC00] =	vst v63  }
0x81: {  	_ =	swait.ge [sflag:s11], $0x4000  }
0x82: {  	[sflag:s11] =	ssyncset.done $0x0  }
0x83: {  	s25 =	sadd.s32 $0x400, s0;
	[sflag:s11] =	ssyncadd.s32 $0xFFFFC000  }
0x84: {  	[tilespmem:s6], [sflag:$0x2] =	stream.indirect.gather [hbm4b:s1+s28], $0x80, s25, s28, $0xb8;
	[tilespmem:$0x1DC00] =	vst v63  }
0x85: {  	_ =	swait.ge [sflag:s12], $0x4000  }
0x86: {  	[sflag:s12] =	ssyncset.done $0x0  }
0x87: {  	s25 =	simm.s32 $0x11C00;
	[sflag:s12] =	ssyncadd.s32 $0xFFFFC000  }
0x88: {  	[hbm4b:s3+s4] =	stream.linear.scatter [tilespmem:s25], [sflag:$0xC], $0x4000, $0x38;
	[tilespmem:$0x1DC00] =	vst v63  }
0x89: {  	_ =	swait.ge [sflag:s5], $0x4000  }
0x8a: {  	[sflag:s5] =	ssyncset.done $0x0  }
0x8b: {  	s9 =	sadd.s32 $0x480, s0;
	[sflag:s5] =	ssyncadd.s32 $0xFFFFC000  }
0x8c: {  	[tilespmem:s2], [sflag:$0x3] =	stream.indirect.gather [hbm4b:s1+s28], $0x80, s9, s28, $0xb8;
	[tilespmem:$0x1DC00] =	vst v63  }
0x8d: {  	_ =	swait.ge [sflag:s13], $0x4000  }
0x8e: {  	[sflag:s13] =	ssyncset.done $0x0  }
0x8f: {  	s9 =	simm.s32 $0x15C00;
	[sflag:s13] =	ssyncadd.s32 $0xFFFFC000  }
0x90: {  	[hbm4b:s17+s4] =	stream.linear.scatter [tilespmem:s9], [sflag:$0xD], $0x4000, $0x38;
	[tilespmem:$0x1DC00] =	vst v63  }
0x91: {  	_ =	swait.ge [sflag:s14], $0x4000  }
0x92: {  	[sflag:s14] =	ssyncset.done $0x0  }
0x93: {  	s23 =	sadd.s32 $0x500, s0;
	[sflag:s14] =	ssyncadd.s32 $0xFFFFC000  }
0x94: {  	[tilespmem:s8], [sflag:$0x4] =	stream.indirect.gather [hbm4b:s1+s28], $0x80, s23, s28, $0xb8;
	[tilespmem:$0x1DC00] =	vst v63  }
0x95: {  	_ =	swait.ge [sflag:s15], $0x4000  }
0x96: {  	[sflag:s15] =	ssyncset.done $0x0  }
0x97: {  	[sflag:s15] =	ssyncadd.s32 $0xFFFFC000  }
0x98: {  	[hbm4b:s29+s4] =	stream.linear.scatter [tilespmem:s10], [sflag:$0xE], $0x4000, $0x38;
	[tilespmem:$0x1DC00] =	vst v63  }
0x99: {  	_ =	swait.ge [sflag:s7], $0x4000  }
0x9a: {  	[sflag:s7] =	ssyncset.done $0x0  }
0x9b: {  	s23 =	simm.s32 $0x1;
	s10 =	sadd.s32 $0x580, s0;
	[sflag:s7] =	ssyncadd.s32 $0xFFFFC000  }
0x9c: {  	[tilespmem:s25], [sflag:$0x5] =	stream.indirect.gather [hbm4b:s1+s28], $0x80, s10, s28, $0xb8;
	[tilespmem:$0x1DC00] =	vst v63  }
0x9d: {  	_ =	swait.ge [sflag:s23], $0x4000  }
0x9e: {  	[sflag:s23] =	ssyncset.done $0x0  }
0x9f: {  	[sflag:s23] =	ssyncadd.s32 $0xFFFFC000  }
0xa0: {  	s10 =	sshrl.u32 s19, $0x3;
	s25 =	rddreg [dreg:$0x2]  }
0xa1: {  	s23 =	sadd.s32 s25, s10  }
0xa2: {  	[hbm4b:s23+s4] =	stream.linear.scatter [tilespmem:s24], [sflag:$0x8], $0x4000, $0x38;
	[tilespmem:$0x1DC00] =	vst v63  }
0xa3: {  	_ =	swait.ge [sflag:s26], $0x4000  }
0xa4: {  	[sflag:s26] =	ssyncset.done $0x0  }
0xa5: {  	s30 =	smov.u32 s20;
	s25 =	sadd.s32 $0x600, s0;
	[sflag:s26] =	ssyncadd.s32 $0xFFFFC000  }
0xa6: {  	[tilespmem:s9], [sflag:$0x6] =	stream.indirect.gather [hbm4b:s1+s28], $0x80, s25, s28, $0xb8;
	[tilespmem:$0x1DC00] =	vst v63  }
0xa7: {  	p0 =	sne.s32 s18, $0x4600;
	s18 =	sadd.s32 $0xE00, s18;
	s9 =	simm.s32 $0x2  }
0xa8: {  	s20 =	sadd.s32 $0x70000, s20;
	s22 =	sadd.s32 $0x70000, s22;
	_ =	swait.ge [sflag:s9], $0x4000  }
0xa9: {  	s21 =	sadd.s32 $0x70000, s21;
	s3 =	sadd.s32 $0x70000, s3;
	[sflag:s9] =	ssyncset.done $0x0  }
.Ltmp0:
0xaa: {  	s2 =	simm.s32 $0xDC00;
	[sflag:s9] =	ssyncadd.s32 $0xFFFFC000;
	(pc) =	sbr.rel @p0 .LBB2_2-.Ltmp0, $4  }
0xab: {  	[hbm4b:s30+s4] =	stream.linear.scatter [tilespmem:s6], [sflag:$0x9], $0x4000, $0x38;
	[tilespmem:$0x1DC00] =	vst v63  }
0xac: {  	s17 =	sadd.s32 $0x70000, s17;
	s8 =	simm.s32 $0x11C00;
	_ =	swait.ge [sflag:s16], $0x4000  }
0xad: {  	s29 =	sadd.s32 $0x70000, s29;
	s19 =	sadd.s32 $0x380000, s19;
	[sflag:s16] =	ssyncset.done $0x0  }
0xae: {  	s0 =	sadd.s32 $0x680, s0;
	s24 =	simm.s32 $0x15C00;
	[sflag:s16] =	ssyncadd.s32 $0xFFFFC000  }
0xaf: {  	s6 =	simm.s32 $0x19C00;
	s10 =	simm.s32 $0x3  }
0xb0: {  	[tilespmem:s6], [sflag:$0x7] =	stream.indirect.gather [hbm4b:s1+s28], $0x80, s0, s28, $0xb8;
	[tilespmem:$0x1DC00] =	vst v63  }
0xb1: {  	_ =	swait.ge [sflag:s10], $0x4000  }
0xb2: {  	[sflag:s10] =	ssyncset.done $0x0  }
0xb3: {  	s17 =	rddreg [dreg:$0x8];
	[sflag:s10] =	ssyncadd.s32 $0xFFFFC000;
	s10 =	simm.s32 $0x8  }
0xb4: {  	[hbm4b:s17+s4] =	stream.linear.scatter [tilespmem:s31], [sflag:$0xA], $0x4000, $0x38;
	[tilespmem:$0x1DC00] =	vst v63  }
0xb5: {  	_ =	swait.ge [sflag:s10], $0x4000  }
0xb6: {  	s3 =	simm.s32 $0x1C00;
	[sflag:s10] =	ssyncset.done $0x0  }
0xb7: {  	s18 =	simm.s32 $0x1880;
	s19 =	simm.s32 $0x4;
	[sflag:s10] =	ssyncadd.s32 $0xFFFFC000  }
0xb8: {  	[tilespmem:s3], [sflag:$0x1] =	stream.indirect.gather [hbm4b:s1+s28], $0x80, s18, s28, $0xb8;
	[tilespmem:$0x1DC00] =	vst v63  }
0xb9: {  	_ =	swait.ge [sflag:s19], $0x4000  }
0xba: {  	[sflag:s19] =	ssyncset.done $0x0  }
0xbb: {  	s20 =	rddreg [dreg:$0x9];
	[sflag:s19] =	ssyncadd.s32 $0xFFFFC000  }
0xbc: {  	[hbm4b:s20+s4] =	stream.linear.scatter [tilespmem:s2], [sflag:$0xB], $0x4000, $0x38;
	[tilespmem:$0x1DC00] =	vst v63  }
0xbd: {  	_ =	swait.ge [sflag:s11], $0x4000  }
0xbe: {  	[sflag:s11] =	ssyncset.done $0x0  }
0xbf: {  	[sflag:s11] =	ssyncadd.s32 $0xFFFFC000  }
0xc0: {  	_ =	swait.ge [sflag:s12], $0x4000  }
0xc1: {  	[sflag:s12] =	ssyncset.done $0x0  }
0xc2: {  	s21 =	rddreg [dreg:$0xa];
	[sflag:s12] =	ssyncadd.s32 $0xFFFFC000  }
0xc3: {  	[hbm4b:s21+s4] =	stream.linear.scatter [tilespmem:s8], [sflag:$0xC], $0x4000, $0x38;
	[tilespmem:$0x1DC00] =	vst v63  }
0xc4: {  	_ =	swait.ge [sflag:s5], $0x4000  }
0xc5: {  	[sflag:s5] =	ssyncset.done $0x0  }
0xc6: {  	[sflag:s5] =	ssyncadd.s32 $0xFFFFC000  }
0xc7: {  	_ =	swait.ge [sflag:s13], $0x4000  }
0xc8: {  	[sflag:s13] =	ssyncset.done $0x0  }
0xc9: {  	s22 =	rddreg [dreg:$0xb];
	[sflag:s13] =	ssyncadd.s32 $0xFFFFC000  }
0xca: {  	[hbm4b:s22+s4] =	stream.linear.scatter [tilespmem:s24], [sflag:$0xD], $0x4000, $0x38;
	[tilespmem:$0x1DC00] =	vst v63  }
0xcb: {  	_ =	swait.ge [sflag:s14], $0x4000  }
0xcc: {  	[sflag:s14] =	ssyncset.done $0x0  }
0xcd: {  	[sflag:s14] =	ssyncadd.s32 $0xFFFFC000  }
0xce: {  	_ =	swait.ge [sflag:s15], $0x4000  }
0xcf: {  	[sflag:s15] =	ssyncset.done $0x0  }
0xd0: {  	s23 =	rddreg [dreg:$0xc];
	[sflag:s15] =	ssyncadd.s32 $0xFFFFC000  }
0xd1: {  	[hbm4b:s23+s4] =	stream.linear.scatter [tilespmem:s6], [sflag:$0xE], $0x4000, $0x38;
	[tilespmem:$0x1DC00] =	vst v63  }
0xd2: {  	_ =	swait.ge [sflag:s7], $0x4000  }
0xd3: {  	[sflag:s7] =	ssyncset.done $0x0  }
0xd4: {  	s24 =	simm.s32 $0x1;
	[sflag:s7] =	ssyncadd.s32 $0xFFFFC000  }
0xd5: {  	_ =	swait.ge [sflag:s24], $0x4000  }
0xd6: {  	[sflag:s24] =	ssyncset.done $0x0  }
0xd7: {  	s25 =	rddreg [dreg:$0xd];
	[sflag:s24] =	ssyncadd.s32 $0xFFFFC000  }
0xd8: {  	[hbm4b:s25+s4] =	stream.linear.scatter [tilespmem:s3], [sflag:$0x8], $0x4000, $0x38;
	[tilespmem:$0x1DC00] =	vst v63  }
0xd9: {  	_ =	swait.ge [sflag:s26], $0x4000  }
0xda: {  	[sflag:s26] =	ssyncset.done $0x0  }
0xdb: {  	[sflag:s26] =	ssyncadd.s32 $0xFFFFC000  }
0xdc: {  	_ =	swait.ge [sflag:s16], $0x4000  }
0xdd: {  	[sflag:s16] =	ssyncset.done $0x0  }
0xde: {  	[sflag:s16] =	ssyncadd.s32 $0xFFFFC000  }
0xdf: {  	_ =	swait.ge [sflag:s10], $0x4000  }
0xe0: {  	s29 =	rddreg [dreg:$0x16]  }
0xe1: {  	s30 =	rddreg [dreg:$0xe];
	s2 =	sadd.s32 $0x1, s29  }
0xe2: {  	p0 =	sne.s32 s2, s30  }
.Ltmp1:
0xe3: {  	_ = 	snop;
	(pc) =	sbr.rel @p0 .LBB2_1-.Ltmp1, $4  }
0xe4: {  	_ = 	snop  }
0xe5: {  	[sflag:s10] =	ssyncset.done $0x0  }
0xe6: {  	[sflag:s10] =	ssyncadd.s32 $0xFFFFC000  }
0xe7: {  	s6 =	simm.s32 $0x5C00;
	s24 =	rddreg [dreg:$0x2]  }
0xe8: {  	_ =	sfence.sel $0x180000  }
0xe9: {  	[bflag:$0x0] =	sbarrier.arrive $0xFFFF  }
0xea: {  	_ =	strace $0x90000047  }
0xeb: {  	s0 =	stileid.u32;
	[bflag:$0x2] =	sbarrier.arrive $0xFFFF  }
0xec: {  	p0 =	sne.s32 s0, $0x0;
	s0 =	rddreg [dreg:$0x3]  }
0xed: {  	s0 =	sadd.s32 @!p0 $0x100000, s0  }
0xee: {  	[sflag:s0] =	ssyncadd.tile.s32 @!p0 $0x1;
	_ =	shalt  }
.Lfunc_end2:
_tile_overlayer_lowered:
.L_overlay_start_2:
0xef: {  	(tag) =	ssettag $0x2  }
0xf0: {  	s0 =	rddreg [dreg:$0x0];
	s2 =	stileid.u32  }
0xf1: {  	s1 =	rddreg [dreg:$0x1];
	p0 =	sne.s32 s2, $0x0  }
0xf2: {  	s3 =	rddreg [dreg:$0x2];
	[bflag:$0x3] =	sbarrier.arrive $0xFFFF;
	s2 =	simm.s32 @!p0 $0x1C0F  }
0xf3: {  	[timem:s3], [sflag:s2] =	dma.local @!p0 [hbm:s0], s1  }
0xf4: {  	s0 =	simm.s32 @!p0 $0xF  }
0xf5: {  	_ =	swait.ge @!p0 [sflag:s0], s1  }
0xf6: {  	s1 =	ssub.s32 @!p0 $0x0, s1;
	[sflag:s0] =	ssyncset.done @!p0 $0x0  }
0xf7: {  	[sflag:s0] =	ssyncadd.s32 @!p0 s1  }
0xf8: {  	[bflag:$0x3] =	sbarrier.arrive $0xFFFF  }
0xf9: {  	_ =	shalt  }

</sc_bundles>
